<compile_context>
chip_gen: v7x
topology: tpu7x:2x2x1
jax: 0.10.2.dev20260603
libtpu: 0.0.44.dev20260713+nightly
codegen_flags: <defaults>
</compile_context>

<pallas_src>
import dataclasses
import functools

import jax
import jax.numpy as jnp
from jax import lax
from jax.experimental import pallas as pl
from jax.experimental.pallas import tpu as pltpu
from jax.experimental.pallas import tpu_sc as plsc

NUM_SA = 100000
FEATURE_DIM = 128
BATCH = 16384

NC = 2
NS = 16
L = 16
NW = NC * NS
B_PER_W = BATCH // NW
GATHER_W = 32
N_CHUNKS = B_PER_W // GATHER_W


def _make_kernel():
    mesh = plsc.VectorSubcoreMesh(core_axis_name="c", subcore_axis_name="s")
    cp = pltpu.CompilerParams()
    if "needs_layout_passes" in pltpu.CompilerParams.__dataclass_fields__:
        cp = dataclasses.replace(cp, needs_layout_passes=False)

    @functools.partial(
        pl.kernel,
        mesh=mesh,
        compiler_params=cp,
        out_type=jax.ShapeDtypeStruct((BATCH,), jnp.float32),
        scratch_types=[
            pltpu.VMEM((B_PER_W,), jnp.int32),
            pltpu.VMEM((B_PER_W,), jnp.int32),
            pltpu.VMEM((FEATURE_DIM,), jnp.float32),
            pltpu.VMEM((B_PER_W, FEATURE_DIM), jnp.float32),
            pltpu.VMEM((B_PER_W,), jnp.float32),
            pltpu.SemaphoreType.DMA,
            pltpu.SemaphoreType.DMA,
            pltpu.SemaphoreType.DMA((N_CHUNKS,)),
        ],
    )
    def k(states_hbm, actions_hbm, table_hbm, w_hbm, out_hbm,
          st_v, ac_v, w_v, rows_v, out_v, sem_in, sem_in2, sem_g):
        wid = lax.axis_index("s") * NC + lax.axis_index("c")
        base = wid * B_PER_W

        cp_st0 = pltpu.async_copy(
            states_hbm.at[pl.ds(base, GATHER_W)], st_v.at[pl.ds(0, GATHER_W)],
            sem_in)
        cp_ac0 = pltpu.async_copy(
            actions_hbm.at[pl.ds(base, GATHER_W)], ac_v.at[pl.ds(0, GATHER_W)],
            sem_in)
        rest = B_PER_W - GATHER_W
        cp_st = pltpu.async_copy(
            states_hbm.at[pl.ds(base + GATHER_W, rest)],
            st_v.at[pl.ds(GATHER_W, rest)], sem_in2)
        cp_ac = pltpu.async_copy(
            actions_hbm.at[pl.ds(base + GATHER_W, rest)],
            ac_v.at[pl.ds(GATHER_W, rest)], sem_in2)
        cp_w = pltpu.async_copy(w_hbm, w_v, sem_in2)
        cp_st0.wait()
        cp_ac0.wait()

        @pl.loop(0, 1)
        def _(c):
            for jj in range(GATHER_W // L):
                sl = pl.ds(c * GATHER_W + jj * L, L)
                st_v[sl] = st_v[sl] * 4 + ac_v[sl]
            pltpu.async_copy(
                table_hbm.at[st_v.at[pl.ds(c * GATHER_W, GATHER_W)]],
                rows_v.at[pl.ds(c * GATHER_W, GATHER_W)],
                sem_g.at[c],
            )

        cp_st.wait()
        cp_ac.wait()

        @pl.loop(1, N_CHUNKS)
        def _(c):
            for jj in range(GATHER_W // L):
                sl = pl.ds(c * GATHER_W + jj * L, L)
                st_v[sl] = st_v[sl] * 4 + ac_v[sl]
            pltpu.async_copy(
                table_hbm.at[st_v.at[pl.ds(c * GATHER_W, GATHER_W)]],
                rows_v.at[pl.ds(c * GATHER_W, GATHER_W)],
                sem_g.at[c],
            )

        cp_w.wait()
        w_regs = [w_v[pl.ds(j * L, L)] for j in range(FEATURE_DIM // L)]
        lane = lax.iota(jnp.int32, L)

        @pl.loop(0, N_CHUNKS)
        def _(c):
            pltpu.make_async_copy(
                table_hbm.at[pl.ds(0, GATHER_W)],
                rows_v.at[pl.ds(c * GATHER_W, GATHER_W)],
                sem_g.at[c],
            ).wait()

            @pl.loop(0, GATHER_W, step=L)
            def _(jj):
                i0 = c * GATHER_W + jj
                res = jnp.zeros((L,), jnp.float32)
                for rr in range(L):
                    i = i0 + rr
                    acc = rows_v[i, pl.ds(0, L)] * w_regs[0]
                    for j in range(1, FEATURE_DIM // L):
                        acc += rows_v[i, pl.ds(j * L, L)] * w_regs[j]
                    res = jnp.where(lane == rr, jnp.sum(acc), res)
                out_v[pl.ds(i0, L)] = res

        pltpu.sync_copy(out_v, out_hbm.at[pl.ds(base, B_PER_W)])

    return k


_kernel_cache = []


@jax.jit
def _run(states, actions, layer1, W):
    if not _kernel_cache:
        _kernel_cache.append(_make_kernel())
    return _kernel_cache[0](states.astype(jnp.int32), actions.astype(jnp.int32),
                            layer1, W.reshape(FEATURE_DIM))


def kernel(states, actions, layer1, W):
    r = _run(states, actions, layer1, W)
    return (r, 0)

# --- scband reference (transcript-rebuilt; emitter-appended) ---
"""Pipeline reference for scband-theta-62062277427670 (READ-ONLY COPY).

The authoritative reference and input builder live on the scoring server;
editing this copy changes nothing except your own understanding.
"""

import jax, jax.numpy as jnp
import numpy as np

NUM_SA = 100000
FEATURE_DIM = 128
BATCH = 16384

def setup_inputs(seed: int = 0) -> dict:
    key = jax.random.key(seed)
    k_states, k_actions, k_table, k_w = jax.random.split(key, 4)
    states = jax.random.randint(k_states, (BATCH,), 0, NUM_SA // 4, dtype=jnp.int64) if jax.config.jax_enable_x64 else jax.random.randint(k_states, (BATCH,), 0, NUM_SA // 4).astype(jnp.int32)
    actions = jax.random.randint(k_actions, (BATCH,), 0, 4).astype(states.dtype)
    layer1 = jax.random.normal(k_table, (NUM_SA, FEATURE_DIM), dtype=jnp.float32)
    # Dense(1, use_bias=False) kernel, GlorotUniform init
    limit = float(np.sqrt(6.0 / (FEATURE_DIM + 1)))
    W = jax.random.uniform(k_w, (FEATURE_DIM, 1), dtype=jnp.float32, minval=-limit, maxval=limit)
    return {"states": states, "actions": actions, "layer1": layer1, "W": W}


def reference(states, actions, layer1, W):
    # sa_indices = states * 4 + actions
    sa_indices = states * 4 + actions
    # feature = tf.gather(self.layer1, sa_indices)
    feature = jnp.take(layer1, sa_indices, axis=0)
    # r = self.l(feature)  (Dense(1), no bias, no activation)
    r = feature @ W
    # r = tf.squeeze(r)
    r = jnp.squeeze(r, axis=-1)
    return (r, 0)

if __name__ == "__main__":
    import jax
    _d = setup_inputs()
    print(jax.jit(kernel)(*tuple(_d.values())))

</pallas_src>

<mosaic_0001>
#map = affine_map<(d0, d1) -> (0)>
#map1 = affine_map<(d0, d1) -> (0, 0)>
module attributes {stable_mosaic.version = 14 : i64} {
  func.func @k(%arg0: i32, %arg1: i32, %arg2: memref<16384xi32, #tpu.memory_space<hbm>>, %arg3: memref<16384xi32, #tpu.memory_space<hbm>>, %arg4: memref<100000x128xf32, #tpu.memory_space<hbm>>, %arg5: memref<128xf32, #tpu.memory_space<hbm>>, %arg6: memref<16384xf32, #tpu.memory_space<hbm>>, %arg7: memref<512xi32, #tpu.memory_space<vmem>>, %arg8: memref<512xi32, #tpu.memory_space<vmem>>, %arg9: memref<128xf32, #tpu.memory_space<vmem>>, %arg10: memref<512x128xf32, #tpu.memory_space<vmem>>, %arg11: memref<512xf32, #tpu.memory_space<vmem>>, %arg12: memref<!tpu.dma_semaphore, #tpu.memory_space<semaphore_mem>>, %arg13: memref<!tpu.dma_semaphore, #tpu.memory_space<semaphore_mem>>, %arg14: memref<16x!tpu.dma_semaphore, #tpu.memory_space<semaphore_mem>>) attributes {dimension_semantics = [#tpu.dimension_semantics<core_parallel>, #tpu.dimension_semantics<subcore_parallel>], iteration_bounds = array<i64: 2, 16>, scalar_prefetch = 0 : i64, scratch_operands = 8 : i64, tpu.core_type = #tpu.core_type<sc_vector_subcore>, window_params = [{transform_indices = #map}, {transform_indices = #map}, {transform_indices = #map1}, {transform_indices = #map}, {transform_indices = #map}]} {
    %mul3A = arith.constant 2 : i32
    %mul3A_0 = arith.muli %arg1, %mul3A : i32
    %add3A = arith.addi %mul3A_0, %arg0 : i32
    %mul3A_1 = arith.constant 512 : i32
    %mul3A_2 = arith.muli %add3A, %mul3A_1 : i32
    %dma_start3A = arith.constant 0 : i32
    %dma_start3A_3 = tpu.memref_slice %arg7[%dma_start3A] : memref<512xi32, #tpu.memory_space<vmem>> -> memref<32xi32, #tpu.memory_space<vmem>>
    %dma_start3A_4 = tpu.memref_slice %arg2[%mul3A_2] : memref<16384xi32, #tpu.memory_space<hbm>> -> memref<32xi32, #tpu.memory_space<hbm>>
    %dma_start3A_5 = arith.constant 0 : i32
    %dma_start3A_6 = tpu.memref_slice %arg7[%dma_start3A_5] : memref<512xi32, #tpu.memory_space<vmem>> -> memref<32xi32, #tpu.memory_space<vmem>>
    %dma_start3A_7 = tpu.memref_slice %arg2[%mul3A_2] : memref<16384xi32, #tpu.memory_space<hbm>> -> memref<32xi32, #tpu.memory_space<hbm>>
    tpu.enqueue_dma source(%dma_start3A_7 : memref<32xi32, #tpu.memory_space<hbm>>) target(%dma_start3A_6 : memref<32xi32, #tpu.memory_space<vmem>>) target_semaphore(%arg12 : memref<!tpu.dma_semaphore, #tpu.memory_space<semaphore_mem>>)
    %dma_start3A_8 = arith.constant 0 : i32
    %dma_start3A_9 = tpu.memref_slice %arg8[%dma_start3A_8] : memref<512xi32, #tpu.memory_space<vmem>> -> memref<32xi32, #tpu.memory_space<vmem>>
    %dma_start3A_10 = tpu.memref_slice %arg3[%mul3A_2] : memref<16384xi32, #tpu.memory_space<hbm>> -> memref<32xi32, #tpu.memory_space<hbm>>
    %dma_start3A_11 = arith.constant 0 : i32
    %dma_start3A_12 = tpu.memref_slice %arg8[%dma_start3A_11] : memref<512xi32, #tpu.memory_space<vmem>> -> memref<32xi32, #tpu.memory_space<vmem>>
    %dma_start3A_13 = tpu.memref_slice %arg3[%mul3A_2] : memref<16384xi32, #tpu.memory_space<hbm>> -> memref<32xi32, #tpu.memory_space<hbm>>
    tpu.enqueue_dma source(%dma_start3A_13 : memref<32xi32, #tpu.memory_space<hbm>>) target(%dma_start3A_12 : memref<32xi32, #tpu.memory_space<vmem>>) target_semaphore(%arg12 : memref<!tpu.dma_semaphore, #tpu.memory_space<semaphore_mem>>)
    %add3A_14 = arith.constant 32 : i32
    %add3A_15 = arith.addi %mul3A_2, %add3A_14 : i32
    %dma_start3A_16 = arith.constant 32 : i32
    %dma_start3A_17 = tpu.memref_slice %arg7[%dma_start3A_16] : memref<512xi32, #tpu.memory_space<vmem>> -> memref<480xi32, #tpu.memory_space<vmem>>
    %dma_start3A_18 = tpu.memref_slice %arg2[%add3A_15] : memref<16384xi32, #tpu.memory_space<hbm>> -> memref<480xi32, #tpu.memory_space<hbm>>
    %dma_start3A_19 = arith.constant 32 : i32
    %dma_start3A_20 = tpu.memref_slice %arg7[%dma_start3A_19] : memref<512xi32, #tpu.memory_space<vmem>> -> memref<480xi32, #tpu.memory_space<vmem>>
    %dma_start3A_21 = tpu.memref_slice %arg2[%add3A_15] : memref<16384xi32, #tpu.memory_space<hbm>> -> memref<480xi32, #tpu.memory_space<hbm>>
    tpu.enqueue_dma source(%dma_start3A_21 : memref<480xi32, #tpu.memory_space<hbm>>) target(%dma_start3A_20 : memref<480xi32, #tpu.memory_space<vmem>>) target_semaphore(%arg13 : memref<!tpu.dma_semaphore, #tpu.memory_space<semaphore_mem>>)
    %add3A_22 = arith.constant 32 : i32
    %add3A_23 = arith.addi %mul3A_2, %add3A_22 : i32
    %dma_start3A_24 = arith.constant 32 : i32
    %dma_start3A_25 = tpu.memref_slice %arg8[%dma_start3A_24] : memref<512xi32, #tpu.memory_space<vmem>> -> memref<480xi32, #tpu.memory_space<vmem>>
    %dma_start3A_26 = tpu.memref_slice %arg3[%add3A_23] : memref<16384xi32, #tpu.memory_space<hbm>> -> memref<480xi32, #tpu.memory_space<hbm>>
    %dma_start3A_27 = arith.constant 32 : i32
    %dma_start3A_28 = tpu.memref_slice %arg8[%dma_start3A_27] : memref<512xi32, #tpu.memory_space<vmem>> -> memref<480xi32, #tpu.memory_space<vmem>>
    %dma_start3A_29 = tpu.memref_slice %arg3[%add3A_23] : memref<16384xi32, #tpu.memory_space<hbm>> -> memref<480xi32, #tpu.memory_space<hbm>>
    tpu.enqueue_dma source(%dma_start3A_29 : memref<480xi32, #tpu.memory_space<hbm>>) target(%dma_start3A_28 : memref<480xi32, #tpu.memory_space<vmem>>) target_semaphore(%arg13 : memref<!tpu.dma_semaphore, #tpu.memory_space<semaphore_mem>>)
    tpu.enqueue_dma source(%arg5 : memref<128xf32, #tpu.memory_space<hbm>>) target(%arg9 : memref<128xf32, #tpu.memory_space<vmem>>) target_semaphore(%arg13 : memref<!tpu.dma_semaphore, #tpu.memory_space<semaphore_mem>>)
    %dma_wait3A = arith.constant 0 : i32
    %dma_wait3A_30 = tpu.memref_slice %arg7[%dma_wait3A] : memref<512xi32, #tpu.memory_space<vmem>> -> memref<32xi32, #tpu.memory_space<vmem>>
    %dma_wait3A_31 = tpu.memref_slice %arg2[%mul3A_2] : memref<16384xi32, #tpu.memory_space<hbm>> -> memref<32xi32, #tpu.memory_space<hbm>>
    %dma_wait3A_32 = arith.constant 0 : i32
    %dma_wait3A_33 = tpu.memref_slice %arg7[%dma_wait3A_32] : memref<512xi32, #tpu.memory_space<vmem>> -> memref<32xi32, #tpu.memory_space<vmem>>
    %dma_wait3A_34 = tpu.memref_slice %arg2[%mul3A_2] : memref<16384xi32, #tpu.memory_space<hbm>> -> memref<32xi32, #tpu.memory_space<hbm>>
    tpu.wait_dma2 semaphore(%arg12 : memref<!tpu.dma_semaphore, #tpu.memory_space<semaphore_mem>>) src(%dma_wait3A_34 : memref<32xi32, #tpu.memory_space<hbm>>) dst(%dma_wait3A_33 : memref<32xi32, #tpu.memory_space<vmem>>)
    %dma_wait3A_35 = arith.constant 0 : i32
    %dma_wait3A_36 = tpu.memref_slice %arg8[%dma_wait3A_35] : memref<512xi32, #tpu.memory_space<vmem>> -> memref<32xi32, #tpu.memory_space<vmem>>
    %dma_wait3A_37 = tpu.memref_slice %arg3[%mul3A_2] : memref<16384xi32, #tpu.memory_space<hbm>> -> memref<32xi32, #tpu.memory_space<hbm>>
    %dma_wait3A_38 = arith.constant 0 : i32
    %dma_wait3A_39 = tpu.memref_slice %arg8[%dma_wait3A_38] : memref<512xi32, #tpu.memory_space<vmem>> -> memref<32xi32, #tpu.memory_space<vmem>>
    %dma_wait3A_40 = tpu.memref_slice %arg3[%mul3A_2] : memref<16384xi32, #tpu.memory_space<hbm>> -> memref<32xi32, #tpu.memory_space<hbm>>
    tpu.wait_dma2 semaphore(%arg12 : memref<!tpu.dma_semaphore, #tpu.memory_space<semaphore_mem>>) src(%dma_wait3A_40 : memref<32xi32, #tpu.memory_space<hbm>>) dst(%dma_wait3A_39 : memref<32xi32, #tpu.memory_space<vmem>>)
    %scan3A = arith.constant 0 : i32
    %mul3A_41 = arith.constant 1 : i32
    %mul3A_42 = arith.muli %scan3A, %mul3A_41 : i32
    %add3A_43 = arith.constant 0 : i32
    %add3A_44 = arith.addi %add3A_43, %mul3A_42 : i32
    %mul3A_45 = arith.constant 32 : i32
    %mul3A_46 = arith.muli %add3A_44, %mul3A_45 : i32
    %add3A_47 = arith.constant 0 : i32
    %add3A_48 = arith.addi %mul3A_46, %add3A_47 : i32
    %get3A = arith.index_cast %add3A_48 : i32 to index
    %get3A_49 = tpu.vector_load %arg7[%get3A] {strides = array<i32>} : memref<512xi32, #tpu.memory_space<vmem>>, vector<16xi32>,
    %mul3A_50 = arith.constant 4 : i32
    %mul3A_51 = vector.broadcast %mul3A_50 : i32 to vector<16xi32>
    %mul3A_52 = arith.muli %get3A_49, %mul3A_51 : vector<16xi32>
    %get3A_53 = arith.index_cast %add3A_48 : i32 to index
    %get3A_54 = tpu.vector_load %arg8[%get3A_53] {strides = array<i32>} : memref<512xi32, #tpu.memory_space<vmem>>, vector<16xi32>,
    %add3A_55 = arith.addi %mul3A_52, %get3A_54 : vector<16xi32>
    %swap3A = arith.index_cast %add3A_48 : i32 to index
    %swap3A_56 = tpu.vector_load %arg7[%swap3A] {strides = array<i32>} : memref<512xi32, #tpu.memory_space<vmem>>, vector<16xi32>,
    tpu.vector_store %arg7[%swap3A], %add3A_55 {strides = array<i32>} : memref<512xi32, #tpu.memory_space<vmem>>, vector<16xi32>,
    %mul3A_57 = arith.constant 32 : i32
    %mul3A_58 = arith.muli %add3A_44, %mul3A_57 : i32
    %add3A_59 = arith.constant 16 : i32
    %add3A_60 = arith.addi %mul3A_58, %add3A_59 : i32
    %get3A_61 = arith.index_cast %add3A_60 : i32 to index
    %get3A_62 = tpu.vector_load %arg7[%get3A_61] {strides = array<i32>} : memref<512xi32, #tpu.memory_space<vmem>>, vector<16xi32>,
    %mul3A_63 = arith.constant 4 : i32
    %mul3A_64 = vector.broadcast %mul3A_63 : i32 to vector<16xi32>
    %mul3A_65 = arith.muli %get3A_62, %mul3A_64 : vector<16xi32>
    %get3A_66 = arith.index_cast %add3A_60 : i32 to index
    %get3A_67 = tpu.vector_load %arg8[%get3A_66] {strides = array<i32>} : memref<512xi32, #tpu.memory_space<vmem>>, vector<16xi32>,
    %add3A_68 = arith.addi %mul3A_65, %get3A_67 : vector<16xi32>
    %swap3A_69 = arith.index_cast %add3A_60 : i32 to index
    %swap3A_70 = tpu.vector_load %arg7[%swap3A_69] {strides = array<i32>} : memref<512xi32, #tpu.memory_space<vmem>>, vector<16xi32>,
    tpu.vector_store %arg7[%swap3A_69], %add3A_68 {strides = array<i32>} : memref<512xi32, #tpu.memory_space<vmem>>, vector<16xi32>,
    %mul3A_71 = arith.constant 32 : i32
    %mul3A_72 = arith.muli %add3A_44, %mul3A_71 : i32
    %mul3A_73 = arith.constant 32 : i32
    %mul3A_74 = arith.muli %add3A_44, %mul3A_73 : i32
    %dma_start3A_75 = arith.constant 0 : i32
    %dma_start3A_76 = tpu.memref_slice %arg10[%mul3A_74, %dma_start3A_75] : memref<512x128xf32, #tpu.memory_space<vmem>> -> memref<32x128xf32, #tpu.memory_space<vmem>>
    %dma_start3A_77 = tpu.memref_slice %arg7[%mul3A_72] : memref<512xi32, #tpu.memory_space<vmem>> -> memref<32xi32, #tpu.memory_space<vmem>>
    %dma_start3A_78 = arith.constant 0 : i32
    %dma_start3A_79 = arith.constant 0 : i32
    %dma_start3A_80 = tpu.memref_slice %arg4[%dma_start3A_78, %dma_start3A_79] : memref<100000x128xf32, #tpu.memory_space<hbm>> -> memref<100000x128xf32, #tpu.memory_space<hbm>>
    %dma_start3A_81 = tpu.memref_slice %arg14[%add3A_44] : memref<16x!tpu.dma_semaphore, #tpu.memory_space<semaphore_mem>> -> memref<1x!tpu.dma_semaphore, #tpu.memory_space<semaphore_mem>>
    %dma_start3A_82 = tpu.memref_squeeze %dma_start3A_81 : memref<1x!tpu.dma_semaphore, #tpu.memory_space<semaphore_mem>> -> memref<!tpu.dma_semaphore, #tpu.memory_space<semaphore_mem>>
    tpu.enqueue_indirect_dma source(%dma_start3A_80 : memref<100000x128xf32, #tpu.memory_space<hbm>>) target(%dma_start3A_76 : memref<32x128xf32, #tpu.memory_space<vmem>>) offsets(%dma_start3A_77 : memref<32xi32, #tpu.memory_space<vmem>>) semaphore(%dma_start3A_82 : memref<!tpu.dma_semaphore, #tpu.memory_space<semaphore_mem>>)
    %scan3A_83 = arith.constant 1 : i32
    %dma_wait3A_84 = arith.constant 32 : i32
    %dma_wait3A_85 = tpu.memref_slice %arg7[%dma_wait3A_84] : memref<512xi32, #tpu.memory_space<vmem>> -> memref<480xi32, #tpu.memory_space<vmem>>
    %dma_wait3A_86 = tpu.memref_slice %arg2[%add3A_15] : memref<16384xi32, #tpu.memory_space<hbm>> -> memref<480xi32, #tpu.memory_space<hbm>>
    %dma_wait3A_87 = arith.constant 32 : i32
    %dma_wait3A_88 = tpu.memref_slice %arg7[%dma_wait3A_87] : memref<512xi32, #tpu.memory_space<vmem>> -> memref<480xi32, #tpu.memory_space<vmem>>
    %dma_wait3A_89 = tpu.memref_slice %arg2[%add3A_15] : memref<16384xi32, #tpu.memory_space<hbm>> -> memref<480xi32, #tpu.memory_space<hbm>>
    tpu.wait_dma2 semaphore(%arg13 : memref<!tpu.dma_semaphore, #tpu.memory_space<semaphore_mem>>) src(%dma_wait3A_89 : memref<480xi32, #tpu.memory_space<hbm>>) dst(%dma_wait3A_88 : memref<480xi32, #tpu.memory_space<vmem>>)
    %dma_wait3A_90 = arith.constant 32 : i32
    %dma_wait3A_91 = tpu.memref_slice %arg8[%dma_wait3A_90] : memref<512xi32, #tpu.memory_space<vmem>> -> memref<480xi32, #tpu.memory_space<vmem>>
    %dma_wait3A_92 = tpu.memref_slice %arg3[%add3A_23] : memref<16384xi32, #tpu.memory_space<hbm>> -> memref<480xi32, #tpu.memory_space<hbm>>
    %dma_wait3A_93 = arith.constant 32 : i32
    %dma_wait3A_94 = tpu.memref_slice %arg8[%dma_wait3A_93] : memref<512xi32, #tpu.memory_space<vmem>> -> memref<480xi32, #tpu.memory_space<vmem>>
    %dma_wait3A_95 = tpu.memref_slice %arg3[%add3A_23] : memref<16384xi32, #tpu.memory_space<hbm>> -> memref<480xi32, #tpu.memory_space<hbm>>
    tpu.wait_dma2 semaphore(%arg13 : memref<!tpu.dma_semaphore, #tpu.memory_space<semaphore_mem>>) src(%dma_wait3A_95 : memref<480xi32, #tpu.memory_space<hbm>>) dst(%dma_wait3A_94 : memref<480xi32, #tpu.memory_space<vmem>>)
    %scan3A_96 = arith.constant 0 : i32
    %scan3A_97 = arith.constant 15 : i32
    %scan3A_98 = arith.addi %scan3A_96, %scan3A_97 : i32
    %scan3A_99 = arith.constant 1 : i32
    scf.for %scan3A_122 = %scan3A_96 to %scan3A_98 step %scan3A_99  : i32 {
      %mul3A_123 = arith.constant 1 : i32
      %mul3A_124 = arith.muli %scan3A_122, %mul3A_123 : i32
      %add3A_125 = arith.constant 1 : i32
      %add3A_126 = arith.addi %add3A_125, %mul3A_124 : i32
      %mul3A_127 = arith.constant 32 : i32
      %mul3A_128 = arith.muli %add3A_126, %mul3A_127 : i32
      %add3A_129 = arith.constant 0 : i32
      %add3A_130 = arith.addi %mul3A_128, %add3A_129 : i32
      %get3A_131 = arith.index_cast %add3A_130 : i32 to index
      %get3A_132 = tpu.vector_load %arg7[%get3A_131] {strides = array<i32>} : memref<512xi32, #tpu.memory_space<vmem>>, vector<16xi32>,
      %mul3A_133 = arith.constant 4 : i32
      %mul3A_134 = vector.broadcast %mul3A_133 : i32 to vector<16xi32>
      %mul3A_135 = arith.muli %get3A_132, %mul3A_134 : vector<16xi32>
      %get3A_136 = arith.index_cast %add3A_130 : i32 to index
      %get3A_137 = tpu.vector_load %arg8[%get3A_136] {strides = array<i32>} : memref<512xi32, #tpu.memory_space<vmem>>, vector<16xi32>,
      %add3A_138 = arith.addi %mul3A_135, %get3A_137 : vector<16xi32>
      %swap3A_139 = arith.index_cast %add3A_130 : i32 to index
      %swap3A_140 = tpu.vector_load %arg7[%swap3A_139] {strides = array<i32>} : memref<512xi32, #tpu.memory_space<vmem>>, vector<16xi32>,
      tpu.vector_store %arg7[%swap3A_139], %add3A_138 {strides = array<i32>} : memref<512xi32, #tpu.memory_space<vmem>>, vector<16xi32>,
      %mul3A_141 = arith.constant 32 : i32
      %mul3A_142 = arith.muli %add3A_126, %mul3A_141 : i32
      %add3A_143 = arith.constant 16 : i32
      %add3A_144 = arith.addi %mul3A_142, %add3A_143 : i32
      %get3A_145 = arith.index_cast %add3A_144 : i32 to index
      %get3A_146 = tpu.vector_load %arg7[%get3A_145] {strides = array<i32>} : memref<512xi32, #tpu.memory_space<vmem>>, vector<16xi32>,
      %mul3A_147 = arith.constant 4 : i32
      %mul3A_148 = vector.broadcast %mul3A_147 : i32 to vector<16xi32>
      %mul3A_149 = arith.muli %get3A_146, %mul3A_148 : vector<16xi32>
      %get3A_150 = arith.index_cast %add3A_144 : i32 to index
      %get3A_151 = tpu.vector_load %arg8[%get3A_150] {strides = array<i32>} : memref<512xi32, #tpu.memory_space<vmem>>, vector<16xi32>,
      %add3A_152 = arith.addi %mul3A_149, %get3A_151 : vector<16xi32>
      %swap3A_153 = arith.index_cast %add3A_144 : i32 to index
      %swap3A_154 = tpu.vector_load %arg7[%swap3A_153] {strides = array<i32>} : memref<512xi32, #tpu.memory_space<vmem>>, vector<16xi32>,
      tpu.vector_store %arg7[%swap3A_153], %add3A_152 {strides = array<i32>} : memref<512xi32, #tpu.memory_space<vmem>>, vector<16xi32>,
      %mul3A_155 = arith.constant 32 : i32
      %mul3A_156 = arith.muli %add3A_126, %mul3A_155 : i32
      %mul3A_157 = arith.constant 32 : i32
      %mul3A_158 = arith.muli %add3A_126, %mul3A_157 : i32
      %dma_start3A_159 = arith.constant 0 : i32
      %dma_start3A_160 = tpu.memref_slice %arg10[%mul3A_158, %dma_start3A_159] : memref<512x128xf32, #tpu.memory_space<vmem>> -> memref<32x128xf32, #tpu.memory_space<vmem>>
      %dma_start3A_161 = tpu.memref_slice %arg7[%mul3A_156] : memref<512xi32, #tpu.memory_space<vmem>> -> memref<32xi32, #tpu.memory_space<vmem>>
      %dma_start3A_162 = arith.constant 0 : i32
      %dma_start3A_163 = arith.constant 0 : i32
      %dma_start3A_164 = tpu.memref_slice %arg4[%dma_start3A_162, %dma_start3A_163] : memref<100000x128xf32, #tpu.memory_space<hbm>> -> memref<100000x128xf32, #tpu.memory_space<hbm>>
      %dma_start3A_165 = tpu.memref_slice %arg14[%add3A_126] : memref<16x!tpu.dma_semaphore, #tpu.memory_space<semaphore_mem>> -> memref<1x!tpu.dma_semaphore, #tpu.memory_space<semaphore_mem>>
      %dma_start3A_166 = tpu.memref_squeeze %dma_start3A_165 : memref<1x!tpu.dma_semaphore, #tpu.memory_space<semaphore_mem>> -> memref<!tpu.dma_semaphore, #tpu.memory_space<semaphore_mem>>
      tpu.enqueue_indirect_dma source(%dma_start3A_164 : memref<100000x128xf32, #tpu.memory_space<hbm>>) target(%dma_start3A_160 : memref<32x128xf32, #tpu.memory_space<vmem>>) offsets(%dma_start3A_161 : memref<32xi32, #tpu.memory_space<vmem>>) semaphore(%dma_start3A_166 : memref<!tpu.dma_semaphore, #tpu.memory_space<semaphore_mem>>)
    }
    %scan3A_100 = arith.constant 15 : i32
    tpu.wait_dma2 semaphore(%arg13 : memref<!tpu.dma_semaphore, #tpu.memory_space<semaphore_mem>>) src(%arg5 : memref<128xf32, #tpu.memory_space<hbm>>) dst(%arg9 : memref<128xf32, #tpu.memory_space<vmem>>)
    %get3A_101 = arith.constant 0 : index
    %get3A_102 = tpu.vector_load %arg9[%get3A_101] {strides = array<i32>} : memref<128xf32, #tpu.memory_space<vmem>>, vector<16xf32>,
    %get3A_103 = arith.constant 16 : index
    %get3A_104 = tpu.vector_load %arg9[%get3A_103] {strides = array<i32>} : memref<128xf32, #tpu.memory_space<vmem>>, vector<16xf32>,
    %get3A_105 = arith.constant 32 : index
    %get3A_106 = tpu.vector_load %arg9[%get3A_105] {strides = array<i32>} : memref<128xf32, #tpu.memory_space<vmem>>, vector<16xf32>,
    %get3A_107 = arith.constant 48 : index
    %get3A_108 = tpu.vector_load %arg9[%get3A_107] {strides = array<i32>} : memref<128xf32, #tpu.memory_space<vmem>>, vector<16xf32>,
    %get3A_109 = arith.constant 64 : index
    %get3A_110 = tpu.vector_load %arg9[%get3A_109] {strides = array<i32>} : memref<128xf32, #tpu.memory_space<vmem>>, vector<16xf32>,
    %get3A_111 = arith.constant 80 : index
    %get3A_112 = tpu.vector_load %arg9[%get3A_111] {strides = array<i32>} : memref<128xf32, #tpu.memory_space<vmem>>, vector<16xf32>,
    %get3A_113 = arith.constant 96 : index
    %get3A_114 = tpu.vector_load %arg9[%get3A_113] {strides = array<i32>} : memref<128xf32, #tpu.memory_space<vmem>>, vector<16xf32>,
    %get3A_115 = arith.constant 112 : index
    %get3A_116 = tpu.vector_load %arg9[%get3A_115] {strides = array<i32>} : memref<128xf32, #tpu.memory_space<vmem>>, vector<16xf32>,
    %iota3A = tpu.iota {dimensions = array<i32: 0>} : vector<16xi32>
    %scan3A_117 = arith.constant 0 : i32
    %scan3A_118 = arith.constant 16 : i32
    %scan3A_119 = arith.addi %scan3A_117, %scan3A_118 : i32
    %scan3A_120 = arith.constant 1 : i32
    scf.for %scan3A_122 = %scan3A_117 to %scan3A_119 step %scan3A_120  : i32 {
      %mul3A_123 = arith.constant 1 : i32
      %mul3A_124 = arith.muli %scan3A_122, %mul3A_123 : i32
      %add3A_125 = arith.constant 0 : i32
      %add3A_126 = arith.addi %add3A_125, %mul3A_124 : i32
      %mul3A_127 = arith.constant 32 : i32
      %mul3A_128 = arith.muli %add3A_126, %mul3A_127 : i32
      %dma_wait3A_129 = arith.constant 0 : i32
      %dma_wait3A_130 = tpu.memref_slice %arg10[%mul3A_128, %dma_wait3A_129] : memref<512x128xf32, #tpu.memory_space<vmem>> -> memref<32x128xf32, #tpu.memory_space<vmem>>
      %dma_wait3A_131 = arith.constant 0 : i32
      %dma_wait3A_132 = arith.constant 0 : i32
      %dma_wait3A_133 = tpu.memref_slice %arg4[%dma_wait3A_131, %dma_wait3A_132] : memref<100000x128xf32, #tpu.memory_space<hbm>> -> memref<32x128xf32, #tpu.memory_space<hbm>>
      %dma_wait3A_134 = tpu.memref_slice %arg14[%add3A_126] : memref<16x!tpu.dma_semaphore, #tpu.memory_space<semaphore_mem>> -> memref<1x!tpu.dma_semaphore, #tpu.memory_space<semaphore_mem>>
      %dma_wait3A_135 = tpu.memref_squeeze %dma_wait3A_134 : memref<1x!tpu.dma_semaphore, #tpu.memory_space<semaphore_mem>> -> memref<!tpu.dma_semaphore, #tpu.memory_space<semaphore_mem>>
      %dma_wait3A_136 = arith.constant 0 : i32
      %dma_wait3A_137 = tpu.memref_slice %arg10[%mul3A_128, %dma_wait3A_136] : memref<512x128xf32, #tpu.memory_space<vmem>> -> memref<32x128xf32, #tpu.memory_space<vmem>>
      %dma_wait3A_138 = arith.constant 0 : i32
      %dma_wait3A_139 = arith.constant 0 : i32
      %dma_wait3A_140 = tpu.memref_slice %arg4[%dma_wait3A_138, %dma_wait3A_139] : memref<100000x128xf32, #tpu.memory_space<hbm>> -> memref<32x128xf32, #tpu.memory_space<hbm>>
      tpu.wait_dma2 semaphore(%dma_wait3A_135 : memref<!tpu.dma_semaphore, #tpu.memory_space<semaphore_mem>>) src(%dma_wait3A_140 : memref<32x128xf32, #tpu.memory_space<hbm>>) dst(%dma_wait3A_137 : memref<32x128xf32, #tpu.memory_space<vmem>>)
      %scan3A_141 = arith.constant 0 : i32
      %scan3A_142 = arith.constant 2 : i32
      %scan3A_143 = arith.addi %scan3A_141, %scan3A_142 : i32
      %scan3A_144 = arith.constant 1 : i32
      scf.for %scan3A_146 = %scan3A_141 to %scan3A_143 step %scan3A_144  : i32 {
        %mul3A_147 = arith.constant 16 : i32
        %mul3A_148 = arith.muli %scan3A_146, %mul3A_147 : i32
        %add3A_149 = arith.constant 0 : i32
        %add3A_150 = arith.addi %add3A_149, %mul3A_148 : i32
        %mul3A_151 = arith.constant 32 : i32
        %mul3A_152 = arith.muli %add3A_126, %mul3A_151 : i32
        %add3A_153 = arith.addi %mul3A_152, %add3A_150 : i32
        %broadcast_in_dim3A = arith.constant 0.000000e+00 : f32
        %broadcast_in_dim3A_154 = vector.broadcast %broadcast_in_dim3A : f32 to vector<16xf32>
        %add3A_155 = arith.constant 0 : i32
        %add3A_156 = arith.addi %add3A_153, %add3A_155 : i32
        %get3A_157 = arith.index_cast %add3A_156 : i32 to index
        %get3A_158 = arith.constant 0 : index
        %get3A_159 = tpu.vector_load %arg10[%get3A_157, %get3A_158] {strides = array<i32>} : memref<512x128xf32, #tpu.memory_space<vmem>>, vector<16xf32>,
        %mul3A_160 = arith.mulf %get3A_159, %get3A_102 : vector<16xf32>
        %get3A_161 = arith.index_cast %add3A_156 : i32 to index
        %get3A_162 = arith.constant 16 : index
        %get3A_163 = tpu.vector_load %arg10[%get3A_161, %get3A_162] {strides = array<i32>} : memref<512x128xf32, #tpu.memory_space<vmem>>, vector<16xf32>,
        %mul3A_164 = arith.mulf %get3A_163, %get3A_104 : vector<16xf32>
        %add3A_165 = arith.addf %mul3A_160, %mul3A_164 : vector<16xf32>
        %get3A_166 = arith.index_cast %add3A_156 : i32 to index
        %get3A_167 = arith.constant 32 : index
        %get3A_168 = tpu.vector_load %arg10[%get3A_166, %get3A_167] {strides = array<i32>} : memref<512x128xf32, #tpu.memory_space<vmem>>, vector<16xf32>,
        %mul3A_169 = arith.mulf %get3A_168, %get3A_106 : vector<16xf32>
        %add3A_170 = arith.addf %add3A_165, %mul3A_169 : vector<16xf32>
        %get3A_171 = arith.index_cast %add3A_156 : i32 to index
        %get3A_172 = arith.constant 48 : index
        %get3A_173 = tpu.vector_load %arg10[%get3A_171, %get3A_172] {strides = array<i32>} : memref<512x128xf32, #tpu.memory_space<vmem>>, vector<16xf32>,
        %mul3A_174 = arith.mulf %get3A_173, %get3A_108 : vector<16xf32>
        %add3A_175 = arith.addf %add3A_170, %mul3A_174 : vector<16xf32>
        %get3A_176 = arith.index_cast %add3A_156 : i32 to index
        %get3A_177 = arith.constant 64 : index
        %get3A_178 = tpu.vector_load %arg10[%get3A_176, %get3A_177] {strides = array<i32>} : memref<512x128xf32, #tpu.memory_space<vmem>>, vector<16xf32>,
        %mul3A_179 = arith.mulf %get3A_178, %get3A_110 : vector<16xf32>
        %add3A_180 = arith.addf %add3A_175, %mul3A_179 : vector<16xf32>
        %get3A_181 = arith.index_cast %add3A_156 : i32 to index
        %get3A_182 = arith.constant 80 : index
        %get3A_183 = tpu.vector_load %arg10[%get3A_181, %get3A_182] {strides = array<i32>} : memref<512x128xf32, #tpu.memory_space<vmem>>, vector<16xf32>,
        %mul3A_184 = arith.mulf %get3A_183, %get3A_112 : vector<16xf32>
        %add3A_185 = arith.addf %add3A_180, %mul3A_184 : vector<16xf32>
        %get3A_186 = arith.index_cast %add3A_156 : i32 to index
        %get3A_187 = arith.constant 96 : index
        %get3A_188 = tpu.vector_load %arg10[%get3A_186, %get3A_187] {strides = array<i32>} : memref<512x128xf32, #tpu.memory_space<vmem>>, vector<16xf32>,
        %mul3A_189 = arith.mulf %get3A_188, %get3A_114 : vector<16xf32>
        %add3A_190 = arith.addf %add3A_185, %mul3A_189 : vector<16xf32>
        %get3A_191 = arith.index_cast %add3A_156 : i32 to index
        %get3A_192 = arith.constant 112 : index
        %get3A_193 = tpu.vector_load %arg10[%get3A_191, %get3A_192] {strides = array<i32>} : memref<512x128xf32, #tpu.memory_space<vmem>>, vector<16xf32>,
        %mul3A_194 = arith.mulf %get3A_193, %get3A_116 : vector<16xf32>
        %add3A_195 = arith.addf %add3A_190, %mul3A_194 : vector<16xf32>
        %eq3A = arith.constant 0 : i32
        %eq3A_196 = vector.broadcast %eq3A : i32 to vector<16xi32>
        %eq3A_197 = arith.cmpi eq, %iota3A, %eq3A_196 : vector<16xi32>
        %reduce_sum3A = arith.constant true
        %reduce_sum3A_198 = vector.broadcast %reduce_sum3A : i1 to vector<16xi1>
        %reduce_sum3A_199 = tpu.scan <sum>, %add3A_195 masked %reduce_sum3A_198 : vector<16xf32>, vector<16xi1> -> vector<16xf32>
        %reduce_sum3A_200 = vector.extract %reduce_sum3A_199[15] : f32 from vector<16xf32>
        %broadcast_in_dim3A_201 = vector.broadcast %reduce_sum3A_200 : f32 to vector<16xf32>
        %select_n3A = arith.select %eq3A_197, %broadcast_in_dim3A_201, %broadcast_in_dim3A_154 : vector<16xi1>, vector<16xf32>
        %add3A_202 = arith.constant 1 : i32
        %add3A_203 = arith.addi %add3A_153, %add3A_202 : i32
        %get3A_204 = arith.index_cast %add3A_203 : i32 to index
        %get3A_205 = arith.constant 0 : index
        %get3A_206 = tpu.vector_load %arg10[%get3A_204, %get3A_205] {strides = array<i32>} : memref<512x128xf32, #tpu.memory_space<vmem>>, vector<16xf32>,
        %mul3A_207 = arith.mulf %get3A_206, %get3A_102 : vector<16xf32>
        %get3A_208 = arith.index_cast %add3A_203 : i32 to index
        %get3A_209 = arith.constant 16 : index
        %get3A_210 = tpu.vector_load %arg10[%get3A_208, %get3A_209] {strides = array<i32>} : memref<512x128xf32, #tpu.memory_space<vmem>>, vector<16xf32>,
        %mul3A_211 = arith.mulf %get3A_210, %get3A_104 : vector<16xf32>
        %add3A_212 = arith.addf %mul3A_207, %mul3A_211 : vector<16xf32>
        %get3A_213 = arith.index_cast %add3A_203 : i32 to index
        %get3A_214 = arith.constant 32 : index
        %get3A_215 = tpu.vector_load %arg10[%get3A_213, %get3A_214] {strides = array<i32>} : memref<512x128xf32, #tpu.memory_space<vmem>>, vector<16xf32>,
        %mul3A_216 = arith.mulf %get3A_215, %get3A_106 : vector<16xf32>
        %add3A_217 = arith.addf %add3A_212, %mul3A_216 : vector<16xf32>
        %get3A_218 = arith.index_cast %add3A_203 : i32 to index
        %get3A_219 = arith.constant 48 : index
        %get3A_220 = tpu.vector_load %arg10[%get3A_218, %get3A_219] {strides = array<i32>} : memref<512x128xf32, #tpu.memory_space<vmem>>, vector<16xf32>,
        %mul3A_221 = arith.mulf %get3A_220, %get3A_108 : vector<16xf32>
        %add3A_222 = arith.addf %add3A_217, %mul3A_221 : vector<16xf32>
        %get3A_223 = arith.index_cast %add3A_203 : i32 to index
        %get3A_224 = arith.constant 64 : index
        %get3A_225 = tpu.vector_load %arg10[%get3A_223, %get3A_224] {strides = array<i32>} : memref<512x128xf32, #tpu.memory_space<vmem>>, vector<16xf32>,
        %mul3A_226 = arith.mulf %get3A_225, %get3A_110 : vector<16xf32>
        %add3A_227 = arith.addf %add3A_222, %mul3A_226 : vector<16xf32>
        %get3A_228 = arith.index_cast %add3A_203 : i32 to index
        %get3A_229 = arith.constant 80 : index
        %get3A_230 = tpu.vector_load %arg10[%get3A_228, %get3A_229] {strides = array<i32>} : memref<512x128xf32, #tpu.memory_space<vmem>>, vector<16xf32>,
        %mul3A_231 = arith.mulf %get3A_230, %get3A_112 : vector<16xf32>
        %add3A_232 = arith.addf %add3A_227, %mul3A_231 : vector<16xf32>
        %get3A_233 = arith.index_cast %add3A_203 : i32 to index
        %get3A_234 = arith.constant 96 : index
        %get3A_235 = tpu.vector_load %arg10[%get3A_233, %get3A_234] {strides = array<i32>} : memref<512x128xf32, #tpu.memory_space<vmem>>, vector<16xf32>,
        %mul3A_236 = arith.mulf %get3A_235, %get3A_114 : vector<16xf32>
        %add3A_237 = arith.addf %add3A_232, %mul3A_236 : vector<16xf32>
        %get3A_238 = arith.index_cast %add3A_203 : i32 to index
        %get3A_239 = arith.constant 112 : index
        %get3A_240 = tpu.vector_load %arg10[%get3A_238, %get3A_239] {strides = array<i32>} : memref<512x128xf32, #tpu.memory_space<vmem>>, vector<16xf32>,
        %mul3A_241 = arith.mulf %get3A_240, %get3A_116 : vector<16xf32>
        %add3A_242 = arith.addf %add3A_237, %mul3A_241 : vector<16xf32>
        %eq3A_243 = arith.constant 1 : i32
        %eq3A_244 = vector.broadcast %eq3A_243 : i32 to vector<16xi32>
        %eq3A_245 = arith.cmpi eq, %iota3A, %eq3A_244 : vector<16xi32>
        %reduce_sum3A_246 = arith.constant true
        %reduce_sum3A_247 = vector.broadcast %reduce_sum3A_246 : i1 to vector<16xi1>
        %reduce_sum3A_248 = tpu.scan <sum>, %add3A_242 masked %reduce_sum3A_247 : vector<16xf32>, vector<16xi1> -> vector<16xf32>
        %reduce_sum3A_249 = vector.extract %reduce_sum3A_248[15] : f32 from vector<16xf32>
        %broadcast_in_dim3A_250 = vector.broadcast %reduce_sum3A_249 : f32 to vector<16xf32>
        %select_n3A_251 = arith.select %eq3A_245, %broadcast_in_dim3A_250, %select_n3A : vector<16xi1>, vector<16xf32>
        %add3A_252 = arith.constant 2 : i32
        %add3A_253 = arith.addi %add3A_153, %add3A_252 : i32
        %get3A_254 = arith.index_cast %add3A_253 : i32 to index
        %get3A_255 = arith.constant 0 : index
        %get3A_256 = tpu.vector_load %arg10[%get3A_254, %get3A_255] {strides = array<i32>} : memref<512x128xf32, #tpu.memory_space<vmem>>, vector<16xf32>,
        %mul3A_257 = arith.mulf %get3A_256, %get3A_102 : vector<16xf32>
        %get3A_258 = arith.index_cast %add3A_253 : i32 to index
        %get3A_259 = arith.constant 16 : index
        %get3A_260 = tpu.vector_load %arg10[%get3A_258, %get3A_259] {strides = array<i32>} : memref<512x128xf32, #tpu.memory_space<vmem>>, vector<16xf32>,
        %mul3A_261 = arith.mulf %get3A_260, %get3A_104 : vector<16xf32>
        %add3A_262 = arith.addf %mul3A_257, %mul3A_261 : vector<16xf32>
        %get3A_263 = arith.index_cast %add3A_253 : i32 to index
        %get3A_264 = arith.constant 32 : index
        %get3A_265 = tpu.vector_load %arg10[%get3A_263, %get3A_264] {strides = array<i32>} : memref<512x128xf32, #tpu.memory_space<vmem>>, vector<16xf32>,
        %mul3A_266 = arith.mulf %get3A_265, %get3A_106 : vector<16xf32>
        %add3A_267 = arith.addf %add3A_262, %mul3A_266 : vector<16xf32>
        %get3A_268 = arith.index_cast %add3A_253 : i32 to index
        %get3A_269 = arith.constant 48 : index
        %get3A_270 = tpu.vector_load %arg10[%get3A_268, %get3A_269] {strides = array<i32>} : memref<512x128xf32, #tpu.memory_space<vmem>>, vector<16xf32>,
        %mul3A_271 = arith.mulf %get3A_270, %get3A_108 : vector<16xf32>
        %add3A_272 = arith.addf %add3A_267, %mul3A_271 : vector<16xf32>
        %get3A_273 = arith.index_cast %add3A_253 : i32 to index
        %get3A_274 = arith.constant 64 : index
        %get3A_275 = tpu.vector_load %arg10[%get3A_273, %get3A_274] {strides = array<i32>} : memref<512x128xf32, #tpu.memory_space<vmem>>, vector<16xf32>,
        %mul3A_276 = arith.mulf %get3A_275, %get3A_110 : vector<16xf32>
        %add3A_277 = arith.addf %add3A_272, %mul3A_276 : vector<16xf32>
        %get3A_278 = arith.index_cast %add3A_253 : i32 to index
        %get3A_279 = arith.constant 80 : index
        %get3A_280 = tpu.vector_load %arg10[%get3A_278, %get3A_279] {strides = array<i32>} : memref<512x128xf32, #tpu.memory_space<vmem>>, vector<16xf32>,
        %mul3A_281 = arith.mulf %get3A_280, %get3A_112 : vector<16xf32>
        %add3A_282 = arith.addf %add3A_277, %mul3A_281 : vector<16xf32>
        %get3A_283 = arith.index_cast %add3A_253 : i32 to index
        %get3A_284 = arith.constant 96 : index
        %get3A_285 = tpu.vector_load %arg10[%get3A_283, %get3A_284] {strides = array<i32>} : memref<512x128xf32, #tpu.memory_space<vmem>>, vector<16xf32>,
        %mul3A_286 = arith.mulf %get3A_285, %get3A_114 : vector<16xf32>
        %add3A_287 = arith.addf %add3A_282, %mul3A_286 : vector<16xf32>
        %get3A_288 = arith.index_cast %add3A_253 : i32 to index
        %get3A_289 = arith.constant 112 : index
        %get3A_290 = tpu.vector_load %arg10[%get3A_288, %get3A_289] {strides = array<i32>} : memref<512x128xf32, #tpu.memory_space<vmem>>, vector<16xf32>,
        %mul3A_291 = arith.mulf %get3A_290, %get3A_116 : vector<16xf32>
        %add3A_292 = arith.addf %add3A_287, %mul3A_291 : vector<16xf32>
        %eq3A_293 = arith.constant 2 : i32
        %eq3A_294 = vector.broadcast %eq3A_293 : i32 to vector<16xi32>
        %eq3A_295 = arith.cmpi eq, %iota3A, %eq3A_294 : vector<16xi32>
        %reduce_sum3A_296 = arith.constant true
        %reduce_sum3A_297 = vector.broadcast %reduce_sum3A_296 : i1 to vector<16xi1>
        %reduce_sum3A_298 = tpu.scan <sum>, %add3A_292 masked %reduce_sum3A_297 : vector<16xf32>, vector<16xi1> -> vector<16xf32>
        %reduce_sum3A_299 = vector.extract %reduce_sum3A_298[15] : f32 from vector<16xf32>
        %broadcast_in_dim3A_300 = vector.broadcast %reduce_sum3A_299 : f32 to vector<16xf32>
        %select_n3A_301 = arith.select %eq3A_295, %broadcast_in_dim3A_300, %select_n3A_251 : vector<16xi1>, vector<16xf32>
        %add3A_302 = arith.constant 3 : i32
        %add3A_303 = arith.addi %add3A_153, %add3A_302 : i32
        %get3A_304 = arith.index_cast %add3A_303 : i32 to index
        %get3A_305 = arith.constant 0 : index
        %get3A_306 = tpu.vector_load %arg10[%get3A_304, %get3A_305] {strides = array<i32>} : memref<512x128xf32, #tpu.memory_space<vmem>>, vector<16xf32>,
        %mul3A_307 = arith.mulf %get3A_306, %get3A_102 : vector<16xf32>
        %get3A_308 = arith.index_cast %add3A_303 : i32 to index
        %get3A_309 = arith.constant 16 : index
        %get3A_310 = tpu.vector_load %arg10[%get3A_308, %get3A_309] {strides = array<i32>} : memref<512x128xf32, #tpu.memory_space<vmem>>, vector<16xf32>,
        %mul3A_311 = arith.mulf %get3A_310, %get3A_104 : vector<16xf32>
        %add3A_312 = arith.addf %mul3A_307, %mul3A_311 : vector<16xf32>
        %get3A_313 = arith.index_cast %add3A_303 : i32 to index
        %get3A_314 = arith.constant 32 : index
        %get3A_315 = tpu.vector_load %arg10[%get3A_313, %get3A_314] {strides = array<i32>} : memref<512x128xf32, #tpu.memory_space<vmem>>, vector<16xf32>,
        %mul3A_316 = arith.mulf %get3A_315, %get3A_106 : vector<16xf32>
        %add3A_317 = arith.addf %add3A_312, %mul3A_316 : vector<16xf32>
        %get3A_318 = arith.index_cast %add3A_303 : i32 to index
        %get3A_319 = arith.constant 48 : index
        %get3A_320 = tpu.vector_load %arg10[%get3A_318, %get3A_319] {strides = array<i32>} : memref<512x128xf32, #tpu.memory_space<vmem>>, vector<16xf32>,
        %mul3A_321 = arith.mulf %get3A_320, %get3A_108 : vector<16xf32>
        %add3A_322 = arith.addf %add3A_317, %mul3A_321 : vector<16xf32>
        %get3A_323 = arith.index_cast %add3A_303 : i32 to index
        %get3A_324 = arith.constant 64 : index
        %get3A_325 = tpu.vector_load %arg10[%get3A_323, %get3A_324] {strides = array<i32>} : memref<512x128xf32, #tpu.memory_space<vmem>>, vector<16xf32>,
        %mul3A_326 = arith.mulf %get3A_325, %get3A_110 : vector<16xf32>
        %add3A_327 = arith.addf %add3A_322, %mul3A_326 : vector<16xf32>
        %get3A_328 = arith.index_cast %add3A_303 : i32 to index
        %get3A_329 = arith.constant 80 : index
        %get3A_330 = tpu.vector_load %arg10[%get3A_328, %get3A_329] {strides = array<i32>} : memref<512x128xf32, #tpu.memory_space<vmem>>, vector<16xf32>,
        %mul3A_331 = arith.mulf %get3A_330, %get3A_112 : vector<16xf32>
        %add3A_332 = arith.addf %add3A_327, %mul3A_331 : vector<16xf32>
        %get3A_333 = arith.index_cast %add3A_303 : i32 to index
        %get3A_334 = arith.constant 96 : index
        %get3A_335 = tpu.vector_load %arg10[%get3A_333, %get3A_334] {strides = array<i32>} : memref<512x128xf32, #tpu.memory_space<vmem>>, vector<16xf32>,
        %mul3A_336 = arith.mulf %get3A_335, %get3A_114 : vector<16xf32>
        %add3A_337 = arith.addf %add3A_332, %mul3A_336 : vector<16xf32>
        %get3A_338 = arith.index_cast %add3A_303 : i32 to index
        %get3A_339 = arith.constant 112 : index
        %get3A_340 = tpu.vector_load %arg10[%get3A_338, %get3A_339] {strides = array<i32>} : memref<512x128xf32, #tpu.memory_space<vmem>>, vector<16xf32>,
        %mul3A_341 = arith.mulf %get3A_340, %get3A_116 : vector<16xf32>
        %add3A_342 = arith.addf %add3A_337, %mul3A_341 : vector<16xf32>
        %eq3A_343 = arith.constant 3 : i32
        %eq3A_344 = vector.broadcast %eq3A_343 : i32 to vector<16xi32>
        %eq3A_345 = arith.cmpi eq, %iota3A, %eq3A_344 : vector<16xi32>
        %reduce_sum3A_346 = arith.constant true
        %reduce_sum3A_347 = vector.broadcast %reduce_sum3A_346 : i1 to vector<16xi1>
        %reduce_sum3A_348 = tpu.scan <sum>, %add3A_342 masked %reduce_sum3A_347 : vector<16xf32>, vector<16xi1> -> vector<16xf32>
        %reduce_sum3A_349 = vector.extract %reduce_sum3A_348[15] : f32 from vector<16xf32>
        %broadcast_in_dim3A_350 = vector.broadcast %reduce_sum3A_349 : f32 to vector<16xf32>
        %select_n3A_351 = arith.select %eq3A_345, %broadcast_in_dim3A_350, %select_n3A_301 : vector<16xi1>, vector<16xf32>
        %add3A_352 = arith.constant 4 : i32
        %add3A_353 = arith.addi %add3A_153, %add3A_352 : i32
        %get3A_354 = arith.index_cast %add3A_353 : i32 to index
        %get3A_355 = arith.constant 0 : index
        %get3A_356 = tpu.vector_load %arg10[%get3A_354, %get3A_355] {strides = array<i32>} : memref<512x128xf32, #tpu.memory_space<vmem>>, vector<16xf32>,
        %mul3A_357 = arith.mulf %get3A_356, %get3A_102 : vector<16xf32>
        %get3A_358 = arith.index_cast %add3A_353 : i32 to index
        %get3A_359 = arith.constant 16 : index
        %get3A_360 = tpu.vector_load %arg10[%get3A_358, %get3A_359] {strides = array<i32>} : memref<512x128xf32, #tpu.memory_space<vmem>>, vector<16xf32>,
        %mul3A_361 = arith.mulf %get3A_360, %get3A_104 : vector<16xf32>
        %add3A_362 = arith.addf %mul3A_357, %mul3A_361 : vector<16xf32>
        %get3A_363 = arith.index_cast %add3A_353 : i32 to index
        %get3A_364 = arith.constant 32 : index
        %get3A_365 = tpu.vector_load %arg10[%get3A_363, %get3A_364] {strides = array<i32>} : memref<512x128xf32, #tpu.memory_space<vmem>>, vector<16xf32>,
        %mul3A_366 = arith.mulf %get3A_365, %get3A_106 : vector<16xf32>
        %add3A_367 = arith.addf %add3A_362, %mul3A_366 : vector<16xf32>
        %get3A_368 = arith.index_cast %add3A_353 : i32 to index
        %get3A_369 = arith.constant 48 : index
        %get3A_370 = tpu.vector_load %arg10[%get3A_368, %get3A_369] {strides = array<i32>} : memref<512x128xf32, #tpu.memory_space<vmem>>, vector<16xf32>,
        %mul3A_371 = arith.mulf %get3A_370, %get3A_108 : vector<16xf32>
        %add3A_372 = arith.addf %add3A_367, %mul3A_371 : vector<16xf32>
        %get3A_373 = arith.index_cast %add3A_353 : i32 to index
        %get3A_374 = arith.constant 64 : index
        %get3A_375 = tpu.vector_load %arg10[%get3A_373, %get3A_374] {strides = array<i32>} : memref<512x128xf32, #tpu.memory_space<vmem>>, vector<16xf32>,
        %mul3A_376 = arith.mulf %get3A_375, %get3A_110 : vector<16xf32>
        %add3A_377 = arith.addf %add3A_372, %mul3A_376 : vector<16xf32>
        %get3A_378 = arith.index_cast %add3A_353 : i32 to index
        %get3A_379 = arith.constant 80 : index
        %get3A_380 = tpu.vector_load %arg10[%get3A_378, %get3A_379] {strides = array<i32>} : memref<512x128xf32, #tpu.memory_space<vmem>>, vector<16xf32>,
        %mul3A_381 = arith.mulf %get3A_380, %get3A_112 : vector<16xf32>
        %add3A_382 = arith.addf %add3A_377, %mul3A_381 : vector<16xf32>
        %get3A_383 = arith.index_cast %add3A_353 : i32 to index
        %get3A_384 = arith.constant 96 : index
        %get3A_385 = tpu.vector_load %arg10[%get3A_383, %get3A_384] {strides = array<i32>} : memref<512x128xf32, #tpu.memory_space<vmem>>, vector<16xf32>,
        %mul3A_386 = arith.mulf %get3A_385, %get3A_114 : vector<16xf32>
        %add3A_387 = arith.addf %add3A_382, %mul3A_386 : vector<16xf32>
        %get3A_388 = arith.index_cast %add3A_353 : i32 to index
        %get3A_389 = arith.constant 112 : index
        %get3A_390 = tpu.vector_load %arg10[%get3A_388, %get3A_389] {strides = array<i32>} : memref<512x128xf32, #tpu.memory_space<vmem>>, vector<16xf32>,
        %mul3A_391 = arith.mulf %get3A_390, %get3A_116 : vector<16xf32>
        %add3A_392 = arith.addf %add3A_387, %mul3A_391 : vector<16xf32>
        %eq3A_393 = arith.constant 4 : i32
        %eq3A_394 = vector.broadcast %eq3A_393 : i32 to vector<16xi32>
        %eq3A_395 = arith.cmpi eq, %iota3A, %eq3A_394 : vector<16xi32>
        %reduce_sum3A_396 = arith.constant true
        %reduce_sum3A_397 = vector.broadcast %reduce_sum3A_396 : i1 to vector<16xi1>
        %reduce_sum3A_398 = tpu.scan <sum>, %add3A_392 masked %reduce_sum3A_397 : vector<16xf32>, vector<16xi1> -> vector<16xf32>
        %reduce_sum3A_399 = vector.extract %reduce_sum3A_398[15] : f32 from vector<16xf32>
        %broadcast_in_dim3A_400 = vector.broadcast %reduce_sum3A_399 : f32 to vector<16xf32>
        %select_n3A_401 = arith.select %eq3A_395, %broadcast_in_dim3A_400, %select_n3A_351 : vector<16xi1>, vector<16xf32>
        %add3A_402 = arith.constant 5 : i32
        %add3A_403 = arith.addi %add3A_153, %add3A_402 : i32
        %get3A_404 = arith.index_cast %add3A_403 : i32 to index
        %get3A_405 = arith.constant 0 : index
        %get3A_406 = tpu.vector_load %arg10[%get3A_404, %get3A_405] {strides = array<i32>} : memref<512x128xf32, #tpu.memory_space<vmem>>, vector<16xf32>,
        %mul3A_407 = arith.mulf %get3A_406, %get3A_102 : vector<16xf32>
        %get3A_408 = arith.index_cast %add3A_403 : i32 to index
        %get3A_409 = arith.constant 16 : index
        %get3A_410 = tpu.vector_load %arg10[%get3A_408, %get3A_409] {strides = array<i32>} : memref<512x128xf32, #tpu.memory_space<vmem>>, vector<16xf32>,
        %mul3A_411 = arith.mulf %get3A_410, %get3A_104 : vector<16xf32>
        %add3A_412 = arith.addf %mul3A_407, %mul3A_411 : vector<16xf32>
        %get3A_413 = arith.index_cast %add3A_403 : i32 to index
        %get3A_414 = arith.constant 32 : index
        %get3A_415 = tpu.vector_load %arg10[%get3A_413, %get3A_414] {strides = array<i32>} : memref<512x128xf32, #tpu.memory_space<vmem>>, vector<16xf32>,
        %mul3A_416 = arith.mulf %get3A_415, %get3A_106 : vector<16xf32>
        %add3A_417 = arith.addf %add3A_412, %mul3A_416 : vector<16xf32>
        %get3A_418 = arith.index_cast %add3A_403 : i32 to index
        %get3A_419 = arith.constant 48 : index
        %get3A_420 = tpu.vector_load %arg10[%get3A_418, %get3A_419] {strides = array<i32>} : memref<512x128xf32, #tpu.memory_space<vmem>>, vector<16xf32>,
        %mul3A_421 = arith.mulf %get3A_420, %get3A_108 : vector<16xf32>
        %add3A_422 = arith.addf %add3A_417, %mul3A_421 : vector<16xf32>
        %get3A_423 = arith.index_cast %add3A_403 : i32 to index
        %get3A_424 = arith.constant 64 : index
        %get3A_425 = tpu.vector_load %arg10[%get3A_423, %get3A_424] {strides = array<i32>} : memref<512x128xf32, #tpu.memory_space<vmem>>, vector<16xf32>,
        %mul3A_426 = arith.mulf %get3A_425, %get3A_110 : vector<16xf32>
        %add3A_427 = arith.addf %add3A_422, %mul3A_426 : vector<16xf32>
        %get3A_428 = arith.index_cast %add3A_403 : i32 to index
        %get3A_429 = arith.constant 80 : index
        %get3A_430 = tpu.vector_load %arg10[%get3A_428, %get3A_429] {strides = array<i32>} : memref<512x128xf32, #tpu.memory_space<vmem>>, vector<16xf32>,
        %mul3A_431 = arith.mulf %get3A_430, %get3A_112 : vector<16xf32>
        %add3A_432 = arith.addf %add3A_427, %mul3A_431 : vector<16xf32>
        %get3A_433 = arith.index_cast %add3A_403 : i32 to index
        %get3A_434 = arith.constant 96 : index
        %get3A_435 = tpu.vector_load %arg10[%get3A_433, %get3A_434] {strides = array<i32>} : memref<512x128xf32, #tpu.memory_space<vmem>>, vector<16xf32>,
        %mul3A_436 = arith.mulf %get3A_435, %get3A_114 : vector<16xf32>
        %add3A_437 = arith.addf %add3A_432, %mul3A_436 : vector<16xf32>
        %get3A_438 = arith.index_cast %add3A_403 : i32 to index
        %get3A_439 = arith.constant 112 : index
        %get3A_440 = tpu.vector_load %arg10[%get3A_438, %get3A_439] {strides = array<i32>} : memref<512x128xf32, #tpu.memory_space<vmem>>, vector<16xf32>,
        %mul3A_441 = arith.mulf %get3A_440, %get3A_116 : vector<16xf32>
        %add3A_442 = arith.addf %add3A_437, %mul3A_441 : vector<16xf32>
        %eq3A_443 = arith.constant 5 : i32
        %eq3A_444 = vector.broadcast %eq3A_443 : i32 to vector<16xi32>
        %eq3A_445 = arith.cmpi eq, %iota3A, %eq3A_444 : vector<16xi32>
        %reduce_sum3A_446 = arith.constant true
        %reduce_sum3A_447 = vector.broadcast %reduce_sum3A_446 : i1 to vector<16xi1>
        %reduce_sum3A_448 = tpu.scan <sum>, %add3A_442 masked %reduce_sum3A_447 : vector<16xf32>, vector<16xi1> -> vector<16xf32>
        %reduce_sum3A_449 = vector.extract %reduce_sum3A_448[15] : f32 from vector<16xf32>
        %broadcast_in_dim3A_450 = vector.broadcast %reduce_sum3A_449 : f32 to vector<16xf32>
        %select_n3A_451 = arith.select %eq3A_445, %broadcast_in_dim3A_450, %select_n3A_401 : vector<16xi1>, vector<16xf32>
        %add3A_452 = arith.constant 6 : i32
        %add3A_453 = arith.addi %add3A_153, %add3A_452 : i32
        %get3A_454 = arith.index_cast %add3A_453 : i32 to index
        %get3A_455 = arith.constant 0 : index
        %get3A_456 = tpu.vector_load %arg10[%get3A_454, %get3A_455] {strides = array<i32>} : memref<512x128xf32, #tpu.memory_space<vmem>>, vector<16xf32>,
        %mul3A_457 = arith.mulf %get3A_456, %get3A_102 : vector<16xf32>
        %get3A_458 = arith.index_cast %add3A_453 : i32 to index
        %get3A_459 = arith.constant 16 : index
        %get3A_460 = tpu.vector_load %arg10[%get3A_458, %get3A_459] {strides = array<i32>} : memref<512x128xf32, #tpu.memory_space<vmem>>, vector<16xf32>,
        %mul3A_461 = arith.mulf %get3A_460, %get3A_104 : vector<16xf32>
        %add3A_462 = arith.addf %mul3A_457, %mul3A_461 : vector<16xf32>
        %get3A_463 = arith.index_cast %add3A_453 : i32 to index
        %get3A_464 = arith.constant 32 : index
        %get3A_465 = tpu.vector_load %arg10[%get3A_463, %get3A_464] {strides = array<i32>} : memref<512x128xf32, #tpu.memory_space<vmem>>, vector<16xf32>,
        %mul3A_466 = arith.mulf %get3A_465, %get3A_106 : vector<16xf32>
        %add3A_467 = arith.addf %add3A_462, %mul3A_466 : vector<16xf32>
        %get3A_468 = arith.index_cast %add3A_453 : i32 to index
        %get3A_469 = arith.constant 48 : index
        %get3A_470 = tpu.vector_load %arg10[%get3A_468, %get3A_469] {strides = array<i32>} : memref<512x128xf32, #tpu.memory_space<vmem>>, vector<16xf32>,
        %mul3A_471 = arith.mulf %get3A_470, %get3A_108 : vector<16xf32>
        %add3A_472 = arith.addf %add3A_467, %mul3A_471 : vector<16xf32>
        %get3A_473 = arith.index_cast %add3A_453 : i32 to index
        %get3A_474 = arith.constant 64 : index
        %get3A_475 = tpu.vector_load %arg10[%get3A_473, %get3A_474] {strides = array<i32>} : memref<512x128xf32, #tpu.memory_space<vmem>>, vector<16xf32>,
        %mul3A_476 = arith.mulf %get3A_475, %get3A_110 : vector<16xf32>
        %add3A_477 = arith.addf %add3A_472, %mul3A_476 : vector<16xf32>
        %get3A_478 = arith.index_cast %add3A_453 : i32 to index
        %get3A_479 = arith.constant 80 : index
        %get3A_480 = tpu.vector_load %arg10[%get3A_478, %get3A_479] {strides = array<i32>} : memref<512x128xf32, #tpu.memory_space<vmem>>, vector<16xf32>,
        %mul3A_481 = arith.mulf %get3A_480, %get3A_112 : vector<16xf32>
        %add3A_482 = arith.addf %add3A_477, %mul3A_481 : vector<16xf32>
        %get3A_483 = arith.index_cast %add3A_453 : i32 to index
        %get3A_484 = arith.constant 96 : index
        %get3A_485 = tpu.vector_load %arg10[%get3A_483, %get3A_484] {strides = array<i32>} : memref<512x128xf32, #tpu.memory_space<vmem>>, vector<16xf32>,
        %mul3A_486 = arith.mulf %get3A_485, %get3A_114 : vector<16xf32>
        %add3A_487 = arith.addf %add3A_482, %mul3A_486 : vector<16xf32>
        %get3A_488 = arith.index_cast %add3A_453 : i32 to index
        %get3A_489 = arith.constant 112 : index
        %get3A_490 = tpu.vector_load %arg10[%get3A_488, %get3A_489] {strides = array<i32>} : memref<512x128xf32, #tpu.memory_space<vmem>>, vector<16xf32>,
        %mul3A_491 = arith.mulf %get3A_490, %get3A_116 : vector<16xf32>
        %add3A_492 = arith.addf %add3A_487, %mul3A_491 : vector<16xf32>
        %eq3A_493 = arith.constant 6 : i32
        %eq3A_494 = vector.broadcast %eq3A_493 : i32 to vector<16xi32>
        %eq3A_495 = arith.cmpi eq, %iota3A, %eq3A_494 : vector<16xi32>
        %reduce_sum3A_496 = arith.constant true
        %reduce_sum3A_497 = vector.broadcast %reduce_sum3A_496 : i1 to vector<16xi1>
        %reduce_sum3A_498 = tpu.scan <sum>, %add3A_492 masked %reduce_sum3A_497 : vector<16xf32>, vector<16xi1> -> vector<16xf32>
        %reduce_sum3A_499 = vector.extract %reduce_sum3A_498[15] : f32 from vector<16xf32>
        %broadcast_in_dim3A_500 = vector.broadcast %reduce_sum3A_499 : f32 to vector<16xf32>
        %select_n3A_501 = arith.select %eq3A_495, %broadcast_in_dim3A_500, %select_n3A_451 : vector<16xi1>, vector<16xf32>
        %add3A_502 = arith.constant 7 : i32
        %add3A_503 = arith.addi %add3A_153, %add3A_502 : i32
        %get3A_504 = arith.index_cast %add3A_503 : i32 to index
        %get3A_505 = arith.constant 0 : index
        %get3A_506 = tpu.vector_load %arg10[%get3A_504, %get3A_505] {strides = array<i32>} : memref<512x128xf32, #tpu.memory_space<vmem>>, vector<16xf32>,
        %mul3A_507 = arith.mulf %get3A_506, %get3A_102 : vector<16xf32>
        %get3A_508 = arith.index_cast %add3A_503 : i32 to index
        %get3A_509 = arith.constant 16 : index
        %get3A_510 = tpu.vector_load %arg10[%get3A_508, %get3A_509] {strides = array<i32>} : memref<512x128xf32, #tpu.memory_space<vmem>>, vector<16xf32>,
        %mul3A_511 = arith.mulf %get3A_510, %get3A_104 : vector<16xf32>
        %add3A_512 = arith.addf %mul3A_507, %mul3A_511 : vector<16xf32>
        %get3A_513 = arith.index_cast %add3A_503 : i32 to index
        %get3A_514 = arith.constant 32 : index
        %get3A_515 = tpu.vector_load %arg10[%get3A_513, %get3A_514] {strides = array<i32>} : memref<512x128xf32, #tpu.memory_space<vmem>>, vector<16xf32>,
        %mul3A_516 = arith.mulf %get3A_515, %get3A_106 : vector<16xf32>
        %add3A_517 = arith.addf %add3A_512, %mul3A_516 : vector<16xf32>
        %get3A_518 = arith.index_cast %add3A_503 : i32 to index
        %get3A_519 = arith.constant 48 : index
        %get3A_520 = tpu.vector_load %arg10[%get3A_518, %get3A_519] {strides = array<i32>} : memref<512x128xf32, #tpu.memory_space<vmem>>, vector<16xf32>,
        %mul3A_521 = arith.mulf %get3A_520, %get3A_108 : vector<16xf32>
        %add3A_522 = arith.addf %add3A_517, %mul3A_521 : vector<16xf32>
        %get3A_523 = arith.index_cast %add3A_503 : i32 to index
        %get3A_524 = arith.constant 64 : index
        %get3A_525 = tpu.vector_load %arg10[%get3A_523, %get3A_524] {strides = array<i32>} : memref<512x128xf32, #tpu.memory_space<vmem>>, vector<16xf32>,
        %mul3A_526 = arith.mulf %get3A_525, %get3A_110 : vector<16xf32>
        %add3A_527 = arith.addf %add3A_522, %mul3A_526 : vector<16xf32>
        %get3A_528 = arith.index_cast %add3A_503 : i32 to index
        %get3A_529 = arith.constant 80 : index
        %get3A_530 = tpu.vector_load %arg10[%get3A_528, %get3A_529] {strides = array<i32>} : memref<512x128xf32, #tpu.memory_space<vmem>>, vector<16xf32>,
        %mul3A_531 = arith.mulf %get3A_530, %get3A_112 : vector<16xf32>
        %add3A_532 = arith.addf %add3A_527, %mul3A_531 : vector<16xf32>
        %get3A_533 = arith.index_cast %add3A_503 : i32 to index
        %get3A_534 = arith.constant 96 : index
        %get3A_535 = tpu.vector_load %arg10[%get3A_533, %get3A_534] {strides = array<i32>} : memref<512x128xf32, #tpu.memory_space<vmem>>, vector<16xf32>,
        %mul3A_536 = arith.mulf %get3A_535, %get3A_114 : vector<16xf32>
        %add3A_537 = arith.addf %add3A_532, %mul3A_536 : vector<16xf32>
        %get3A_538 = arith.index_cast %add3A_503 : i32 to index
        %get3A_539 = arith.constant 112 : index
        %get3A_540 = tpu.vector_load %arg10[%get3A_538, %get3A_539] {strides = array<i32>} : memref<512x128xf32, #tpu.memory_space<vmem>>, vector<16xf32>,
        %mul3A_541 = arith.mulf %get3A_540, %get3A_116 : vector<16xf32>
        %add3A_542 = arith.addf %add3A_537, %mul3A_541 : vector<16xf32>
        %eq3A_543 = arith.constant 7 : i32
        %eq3A_544 = vector.broadcast %eq3A_543 : i32 to vector<16xi32>
        %eq3A_545 = arith.cmpi eq, %iota3A, %eq3A_544 : vector<16xi32>
        %reduce_sum3A_546 = arith.constant true
        %reduce_sum3A_547 = vector.broadcast %reduce_sum3A_546 : i1 to vector<16xi1>
        %reduce_sum3A_548 = tpu.scan <sum>, %add3A_542 masked %reduce_sum3A_547 : vector<16xf32>, vector<16xi1> -> vector<16xf32>
        %reduce_sum3A_549 = vector.extract %reduce_sum3A_548[15] : f32 from vector<16xf32>
        %broadcast_in_dim3A_550 = vector.broadcast %reduce_sum3A_549 : f32 to vector<16xf32>
        %select_n3A_551 = arith.select %eq3A_545, %broadcast_in_dim3A_550, %select_n3A_501 : vector<16xi1>, vector<16xf32>
        %add3A_552 = arith.constant 8 : i32
        %add3A_553 = arith.addi %add3A_153, %add3A_552 : i32
        %get3A_554 = arith.index_cast %add3A_553 : i32 to index
        %get3A_555 = arith.constant 0 : index
        %get3A_556 = tpu.vector_load %arg10[%get3A_554, %get3A_555] {strides = array<i32>} : memref<512x128xf32, #tpu.memory_space<vmem>>, vector<16xf32>,
        %mul3A_557 = arith.mulf %get3A_556, %get3A_102 : vector<16xf32>
        %get3A_558 = arith.index_cast %add3A_553 : i32 to index
        %get3A_559 = arith.constant 16 : index
        %get3A_560 = tpu.vector_load %arg10[%get3A_558, %get3A_559] {strides = array<i32>} : memref<512x128xf32, #tpu.memory_space<vmem>>, vector<16xf32>,
        %mul3A_561 = arith.mulf %get3A_560, %get3A_104 : vector<16xf32>
        %add3A_562 = arith.addf %mul3A_557, %mul3A_561 : vector<16xf32>
        %get3A_563 = arith.index_cast %add3A_553 : i32 to index
        %get3A_564 = arith.constant 32 : index
        %get3A_565 = tpu.vector_load %arg10[%get3A_563, %get3A_564] {strides = array<i32>} : memref<512x128xf32, #tpu.memory_space<vmem>>, vector<16xf32>,
        %mul3A_566 = arith.mulf %get3A_565, %get3A_106 : vector<16xf32>
        %add3A_567 = arith.addf %add3A_562, %mul3A_566 : vector<16xf32>
        %get3A_568 = arith.index_cast %add3A_553 : i32 to index
        %get3A_569 = arith.constant 48 : index
        %get3A_570 = tpu.vector_load %arg10[%get3A_568, %get3A_569] {strides = array<i32>} : memref<512x128xf32, #tpu.memory_space<vmem>>, vector<16xf32>,
        %mul3A_571 = arith.mulf %get3A_570, %get3A_108 : vector<16xf32>
        %add3A_572 = arith.addf %add3A_567, %mul3A_571 : vector<16xf32>
        %get3A_573 = arith.index_cast %add3A_553 : i32 to index
        %get3A_574 = arith.constant 64 : index
        %get3A_575 = tpu.vector_load %arg10[%get3A_573, %get3A_574] {strides = array<i32>} : memref<512x128xf32, #tpu.memory_space<vmem>>, vector<16xf32>,
        %mul3A_576 = arith.mulf %get3A_575, %get3A_110 : vector<16xf32>
        %add3A_577 = arith.addf %add3A_572, %mul3A_576 : vector<16xf32>
        %get3A_578 = arith.index_cast %add3A_553 : i32 to index
        %get3A_579 = arith.constant 80 : index
        %get3A_580 = tpu.vector_load %arg10[%get3A_578, %get3A_579] {strides = array<i32>} : memref<512x128xf32, #tpu.memory_space<vmem>>, vector<16xf32>,
        %mul3A_581 = arith.mulf %get3A_580, %get3A_112 : vector<16xf32>
        %add3A_582 = arith.addf %add3A_577, %mul3A_581 : vector<16xf32>
        %get3A_583 = arith.index_cast %add3A_553 : i32 to index
        %get3A_584 = arith.constant 96 : index
        %get3A_585 = tpu.vector_load %arg10[%get3A_583, %get3A_584] {strides = array<i32>} : memref<512x128xf32, #tpu.memory_space<vmem>>, vector<16xf32>,
        %mul3A_586 = arith.mulf %get3A_585, %get3A_114 : vector<16xf32>
        %add3A_587 = arith.addf %add3A_582, %mul3A_586 : vector<16xf32>
        %get3A_588 = arith.index_cast %add3A_553 : i32 to index
        %get3A_589 = arith.constant 112 : index
        %get3A_590 = tpu.vector_load %arg10[%get3A_588, %get3A_589] {strides = array<i32>} : memref<512x128xf32, #tpu.memory_space<vmem>>, vector<16xf32>,
        %mul3A_591 = arith.mulf %get3A_590, %get3A_116 : vector<16xf32>
        %add3A_592 = arith.addf %add3A_587, %mul3A_591 : vector<16xf32>
        %eq3A_593 = arith.constant 8 : i32
        %eq3A_594 = vector.broadcast %eq3A_593 : i32 to vector<16xi32>
        %eq3A_595 = arith.cmpi eq, %iota3A, %eq3A_594 : vector<16xi32>
        %reduce_sum3A_596 = arith.constant true
        %reduce_sum3A_597 = vector.broadcast %reduce_sum3A_596 : i1 to vector<16xi1>
        %reduce_sum3A_598 = tpu.scan <sum>, %add3A_592 masked %reduce_sum3A_597 : vector<16xf32>, vector<16xi1> -> vector<16xf32>
        %reduce_sum3A_599 = vector.extract %reduce_sum3A_598[15] : f32 from vector<16xf32>
        %broadcast_in_dim3A_600 = vector.broadcast %reduce_sum3A_599 : f32 to vector<16xf32>
        %select_n3A_601 = arith.select %eq3A_595, %broadcast_in_dim3A_600, %select_n3A_551 : vector<16xi1>, vector<16xf32>
        %add3A_602 = arith.constant 9 : i32
        %add3A_603 = arith.addi %add3A_153, %add3A_602 : i32
        %get3A_604 = arith.index_cast %add3A_603 : i32 to index
        %get3A_605 = arith.constant 0 : index
        %get3A_606 = tpu.vector_load %arg10[%get3A_604, %get3A_605] {strides = array<i32>} : memref<512x128xf32, #tpu.memory_space<vmem>>, vector<16xf32>,
        %mul3A_607 = arith.mulf %get3A_606, %get3A_102 : vector<16xf32>
        %get3A_608 = arith.index_cast %add3A_603 : i32 to index
        %get3A_609 = arith.constant 16 : index
        %get3A_610 = tpu.vector_load %arg10[%get3A_608, %get3A_609] {strides = array<i32>} : memref<512x128xf32, #tpu.memory_space<vmem>>, vector<16xf32>,
        %mul3A_611 = arith.mulf %get3A_610, %get3A_104 : vector<16xf32>
        %add3A_612 = arith.addf %mul3A_607, %mul3A_611 : vector<16xf32>
        %get3A_613 = arith.index_cast %add3A_603 : i32 to index
        %get3A_614 = arith.constant 32 : index
        %get3A_615 = tpu.vector_load %arg10[%get3A_613, %get3A_614] {strides = array<i32>} : memref<512x128xf32, #tpu.memory_space<vmem>>, vector<16xf32>,
        %mul3A_616 = arith.mulf %get3A_615, %get3A_106 : vector<16xf32>
        %add3A_617 = arith.addf %add3A_612, %mul3A_616 : vector<16xf32>
        %get3A_618 = arith.index_cast %add3A_603 : i32 to index
        %get3A_619 = arith.constant 48 : index
        %get3A_620 = tpu.vector_load %arg10[%get3A_618, %get3A_619] {strides = array<i32>} : memref<512x128xf32, #tpu.memory_space<vmem>>, vector<16xf32>,
        %mul3A_621 = arith.mulf %get3A_620, %get3A_108 : vector<16xf32>
        %add3A_622 = arith.addf %add3A_617, %mul3A_621 : vector<16xf32>
        %get3A_623 = arith.index_cast %add3A_603 : i32 to index
        %get3A_624 = arith.constant 64 : index
        %get3A_625 = tpu.vector_load %arg10[%get3A_623, %get3A_624] {strides = array<i32>} : memref<512x128xf32, #tpu.memory_space<vmem>>, vector<16xf32>,
        %mul3A_626 = arith.mulf %get3A_625, %get3A_110 : vector<16xf32>
        %add3A_627 = arith.addf %add3A_622, %mul3A_626 : vector<16xf32>
        %get3A_628 = arith.index_cast %add3A_603 : i32 to index
        %get3A_629 = arith.constant 80 : index
        %get3A_630 = tpu.vector_load %arg10[%get3A_628, %get3A_629] {strides = array<i32>} : memref<512x128xf32, #tpu.memory_space<vmem>>, vector<16xf32>,
        %mul3A_631 = arith.mulf %get3A_630, %get3A_112 : vector<16xf32>
        %add3A_632 = arith.addf %add3A_627, %mul3A_631 : vector<16xf32>
        %get3A_633 = arith.index_cast %add3A_603 : i32 to index
        %get3A_634 = arith.constant 96 : index
        %get3A_635 = tpu.vector_load %arg10[%get3A_633, %get3A_634] {strides = array<i32>} : memref<512x128xf32, #tpu.memory_space<vmem>>, vector<16xf32>,
        %mul3A_636 = arith.mulf %get3A_635, %get3A_114 : vector<16xf32>
        %add3A_637 = arith.addf %add3A_632, %mul3A_636 : vector<16xf32>
        %get3A_638 = arith.index_cast %add3A_603 : i32 to index
        %get3A_639 = arith.constant 112 : index
        %get3A_640 = tpu.vector_load %arg10[%get3A_638, %get3A_639] {strides = array<i32>} : memref<512x128xf32, #tpu.memory_space<vmem>>, vector<16xf32>,
        %mul3A_641 = arith.mulf %get3A_640, %get3A_116 : vector<16xf32>
        %add3A_642 = arith.addf %add3A_637, %mul3A_641 : vector<16xf32>
        %eq3A_643 = arith.constant 9 : i32
        %eq3A_644 = vector.broadcast %eq3A_643 : i32 to vector<16xi32>
        %eq3A_645 = arith.cmpi eq, %iota3A, %eq3A_644 : vector<16xi32>
        %reduce_sum3A_646 = arith.constant true
        %reduce_sum3A_647 = vector.broadcast %reduce_sum3A_646 : i1 to vector<16xi1>
        %reduce_sum3A_648 = tpu.scan <sum>, %add3A_642 masked %reduce_sum3A_647 : vector<16xf32>, vector<16xi1> -> vector<16xf32>
        %reduce_sum3A_649 = vector.extract %reduce_sum3A_648[15] : f32 from vector<16xf32>
        %broadcast_in_dim3A_650 = vector.broadcast %reduce_sum3A_649 : f32 to vector<16xf32>
        %select_n3A_651 = arith.select %eq3A_645, %broadcast_in_dim3A_650, %select_n3A_601 : vector<16xi1>, vector<16xf32>
        %add3A_652 = arith.constant 10 : i32
        %add3A_653 = arith.addi %add3A_153, %add3A_652 : i32
        %get3A_654 = arith.index_cast %add3A_653 : i32 to index
        %get3A_655 = arith.constant 0 : index
        %get3A_656 = tpu.vector_load %arg10[%get3A_654, %get3A_655] {strides = array<i32>} : memref<512x128xf32, #tpu.memory_space<vmem>>, vector<16xf32>,
        %mul3A_657 = arith.mulf %get3A_656, %get3A_102 : vector<16xf32>
        %get3A_658 = arith.index_cast %add3A_653 : i32 to index
        %get3A_659 = arith.constant 16 : index
        %get3A_660 = tpu.vector_load %arg10[%get3A_658, %get3A_659] {strides = array<i32>} : memref<512x128xf32, #tpu.memory_space<vmem>>, vector<16xf32>,
        %mul3A_661 = arith.mulf %get3A_660, %get3A_104 : vector<16xf32>
        %add3A_662 = arith.addf %mul3A_657, %mul3A_661 : vector<16xf32>
        %get3A_663 = arith.index_cast %add3A_653 : i32 to index
        %get3A_664 = arith.constant 32 : index
        %get3A_665 = tpu.vector_load %arg10[%get3A_663, %get3A_664] {strides = array<i32>} : memref<512x128xf32, #tpu.memory_space<vmem>>, vector<16xf32>,
        %mul3A_666 = arith.mulf %get3A_665, %get3A_106 : vector<16xf32>
        %add3A_667 = arith.addf %add3A_662, %mul3A_666 : vector<16xf32>
        %get3A_668 = arith.index_cast %add3A_653 : i32 to index
        %get3A_669 = arith.constant 48 : index
        %get3A_670 = tpu.vector_load %arg10[%get3A_668, %get3A_669] {strides = array<i32>} : memref<512x128xf32, #tpu.memory_space<vmem>>, vector<16xf32>,
        %mul3A_671 = arith.mulf %get3A_670, %get3A_108 : vector<16xf32>
        %add3A_672 = arith.addf %add3A_667, %mul3A_671 : vector<16xf32>
        %get3A_673 = arith.index_cast %add3A_653 : i32 to index
        %get3A_674 = arith.constant 64 : index
        %get3A_675 = tpu.vector_load %arg10[%get3A_673, %get3A_674] {strides = array<i32>} : memref<512x128xf32, #tpu.memory_space<vmem>>, vector<16xf32>,
        %mul3A_676 = arith.mulf %get3A_675, %get3A_110 : vector<16xf32>
        %add3A_677 = arith.addf %add3A_672, %mul3A_676 : vector<16xf32>
        %get3A_678 = arith.index_cast %add3A_653 : i32 to index
        %get3A_679 = arith.constant 80 : index
        %get3A_680 = tpu.vector_load %arg10[%get3A_678, %get3A_679] {strides = array<i32>} : memref<512x128xf32, #tpu.memory_space<vmem>>, vector<16xf32>,
        %mul3A_681 = arith.mulf %get3A_680, %get3A_112 : vector<16xf32>
        %add3A_682 = arith.addf %add3A_677, %mul3A_681 : vector<16xf32>
        %get3A_683 = arith.index_cast %add3A_653 : i32 to index
        %get3A_684 = arith.constant 96 : index
        %get3A_685 = tpu.vector_load %arg10[%get3A_683, %get3A_684] {strides = array<i32>} : memref<512x128xf32, #tpu.memory_space<vmem>>, vector<16xf32>,
        %mul3A_686 = arith.mulf %get3A_685, %get3A_114 : vector<16xf32>
        %add3A_687 = arith.addf %add3A_682, %mul3A_686 : vector<16xf32>
        %get3A_688 = arith.index_cast %add3A_653 : i32 to index
        %get3A_689 = arith.constant 112 : index
        %get3A_690 = tpu.vector_load %arg10[%get3A_688, %get3A_689] {strides = array<i32>} : memref<512x128xf32, #tpu.memory_space<vmem>>, vector<16xf32>,
        %mul3A_691 = arith.mulf %get3A_690, %get3A_116 : vector<16xf32>
        %add3A_692 = arith.addf %add3A_687, %mul3A_691 : vector<16xf32>
        %eq3A_693 = arith.constant 10 : i32
        %eq3A_694 = vector.broadcast %eq3A_693 : i32 to vector<16xi32>
        %eq3A_695 = arith.cmpi eq, %iota3A, %eq3A_694 : vector<16xi32>
        %reduce_sum3A_696 = arith.constant true
        %reduce_sum3A_697 = vector.broadcast %reduce_sum3A_696 : i1 to vector<16xi1>
        %reduce_sum3A_698 = tpu.scan <sum>, %add3A_692 masked %reduce_sum3A_697 : vector<16xf32>, vector<16xi1> -> vector<16xf32>
        %reduce_sum3A_699 = vector.extract %reduce_sum3A_698[15] : f32 from vector<16xf32>
        %broadcast_in_dim3A_700 = vector.broadcast %reduce_sum3A_699 : f32 to vector<16xf32>
        %select_n3A_701 = arith.select %eq3A_695, %broadcast_in_dim3A_700, %select_n3A_651 : vector<16xi1>, vector<16xf32>
        %add3A_702 = arith.constant 11 : i32
        %add3A_703 = arith.addi %add3A_153, %add3A_702 : i32
        %get3A_704 = arith.index_cast %add3A_703 : i32 to index
        %get3A_705 = arith.constant 0 : index
        %get3A_706 = tpu.vector_load %arg10[%get3A_704, %get3A_705] {strides = array<i32>} : memref<512x128xf32, #tpu.memory_space<vmem>>, vector<16xf32>,
        %mul3A_707 = arith.mulf %get3A_706, %get3A_102 : vector<16xf32>
        %get3A_708 = arith.index_cast %add3A_703 : i32 to index
        %get3A_709 = arith.constant 16 : index
        %get3A_710 = tpu.vector_load %arg10[%get3A_708, %get3A_709] {strides = array<i32>} : memref<512x128xf32, #tpu.memory_space<vmem>>, vector<16xf32>,
        %mul3A_711 = arith.mulf %get3A_710, %get3A_104 : vector<16xf32>
        %add3A_712 = arith.addf %mul3A_707, %mul3A_711 : vector<16xf32>
        %get3A_713 = arith.index_cast %add3A_703 : i32 to index
        %get3A_714 = arith.constant 32 : index
        %get3A_715 = tpu.vector_load %arg10[%get3A_713, %get3A_714] {strides = array<i32>} : memref<512x128xf32, #tpu.memory_space<vmem>>, vector<16xf32>,
        %mul3A_716 = arith.mulf %get3A_715, %get3A_106 : vector<16xf32>
        %add3A_717 = arith.addf %add3A_712, %mul3A_716 : vector<16xf32>
        %get3A_718 = arith.index_cast %add3A_703 : i32 to index
        %get3A_719 = arith.constant 48 : index
        %get3A_720 = tpu.vector_load %arg10[%get3A_718, %get3A_719] {strides = array<i32>} : memref<512x128xf32, #tpu.memory_space<vmem>>, vector<16xf32>,
        %mul3A_721 = arith.mulf %get3A_720, %get3A_108 : vector<16xf32>
        %add3A_722 = arith.addf %add3A_717, %mul3A_721 : vector<16xf32>
        %get3A_723 = arith.index_cast %add3A_703 : i32 to index
        %get3A_724 = arith.constant 64 : index
        %get3A_725 = tpu.vector_load %arg10[%get3A_723, %get3A_724] {strides = array<i32>} : memref<512x128xf32, #tpu.memory_space<vmem>>, vector<16xf32>,
        %mul3A_726 = arith.mulf %get3A_725, %get3A_110 : vector<16xf32>
        %add3A_727 = arith.addf %add3A_722, %mul3A_726 : vector<16xf32>
        %get3A_728 = arith.index_cast %add3A_703 : i32 to index
        %get3A_729 = arith.constant 80 : index
        %get3A_730 = tpu.vector_load %arg10[%get3A_728, %get3A_729] {strides = array<i32>} : memref<512x128xf32, #tpu.memory_space<vmem>>, vector<16xf32>,
        %mul3A_731 = arith.mulf %get3A_730, %get3A_112 : vector<16xf32>
        %add3A_732 = arith.addf %add3A_727, %mul3A_731 : vector<16xf32>
        %get3A_733 = arith.index_cast %add3A_703 : i32 to index
        %get3A_734 = arith.constant 96 : index
        %get3A_735 = tpu.vector_load %arg10[%get3A_733, %get3A_734] {strides = array<i32>} : memref<512x128xf32, #tpu.memory_space<vmem>>, vector<16xf32>,
        %mul3A_736 = arith.mulf %get3A_735, %get3A_114 : vector<16xf32>
        %add3A_737 = arith.addf %add3A_732, %mul3A_736 : vector<16xf32>
        %get3A_738 = arith.index_cast %add3A_703 : i32 to index
        %get3A_739 = arith.constant 112 : index
        %get3A_740 = tpu.vector_load %arg10[%get3A_738, %get3A_739] {strides = array<i32>} : memref<512x128xf32, #tpu.memory_space<vmem>>, vector<16xf32>,
        %mul3A_741 = arith.mulf %get3A_740, %get3A_116 : vector<16xf32>
        %add3A_742 = arith.addf %add3A_737, %mul3A_741 : vector<16xf32>
        %eq3A_743 = arith.constant 11 : i32
        %eq3A_744 = vector.broadcast %eq3A_743 : i32 to vector<16xi32>
        %eq3A_745 = arith.cmpi eq, %iota3A, %eq3A_744 : vector<16xi32>
        %reduce_sum3A_746 = arith.constant true
        %reduce_sum3A_747 = vector.broadcast %reduce_sum3A_746 : i1 to vector<16xi1>
        %reduce_sum3A_748 = tpu.scan <sum>, %add3A_742 masked %reduce_sum3A_747 : vector<16xf32>, vector<16xi1> -> vector<16xf32>
        %reduce_sum3A_749 = vector.extract %reduce_sum3A_748[15] : f32 from vector<16xf32>
        %broadcast_in_dim3A_750 = vector.broadcast %reduce_sum3A_749 : f32 to vector<16xf32>
        %select_n3A_751 = arith.select %eq3A_745, %broadcast_in_dim3A_750, %select_n3A_701 : vector<16xi1>, vector<16xf32>
        %add3A_752 = arith.constant 12 : i32
        %add3A_753 = arith.addi %add3A_153, %add3A_752 : i32
        %get3A_754 = arith.index_cast %add3A_753 : i32 to index
        %get3A_755 = arith.constant 0 : index
        %get3A_756 = tpu.vector_load %arg10[%get3A_754, %get3A_755] {strides = array<i32>} : memref<512x128xf32, #tpu.memory_space<vmem>>, vector<16xf32>,
        %mul3A_757 = arith.mulf %get3A_756, %get3A_102 : vector<16xf32>
        %get3A_758 = arith.index_cast %add3A_753 : i32 to index
        %get3A_759 = arith.constant 16 : index
        %get3A_760 = tpu.vector_load %arg10[%get3A_758, %get3A_759] {strides = array<i32>} : memref<512x128xf32, #tpu.memory_space<vmem>>, vector<16xf32>,
        %mul3A_761 = arith.mulf %get3A_760, %get3A_104 : vector<16xf32>
        %add3A_762 = arith.addf %mul3A_757, %mul3A_761 : vector<16xf32>
        %get3A_763 = arith.index_cast %add3A_753 : i32 to index
        %get3A_764 = arith.constant 32 : index
        %get3A_765 = tpu.vector_load %arg10[%get3A_763, %get3A_764] {strides = array<i32>} : memref<512x128xf32, #tpu.memory_space<vmem>>, vector<16xf32>,
        %mul3A_766 = arith.mulf %get3A_765, %get3A_106 : vector<16xf32>
        %add3A_767 = arith.addf %add3A_762, %mul3A_766 : vector<16xf32>
        %get3A_768 = arith.index_cast %add3A_753 : i32 to index
        %get3A_769 = arith.constant 48 : index
        %get3A_770 = tpu.vector_load %arg10[%get3A_768, %get3A_769] {strides = array<i32>} : memref<512x128xf32, #tpu.memory_space<vmem>>, vector<16xf32>,
        %mul3A_771 = arith.mulf %get3A_770, %get3A_108 : vector<16xf32>
        %add3A_772 = arith.addf %add3A_767, %mul3A_771 : vector<16xf32>
        %get3A_773 = arith.index_cast %add3A_753 : i32 to index
        %get3A_774 = arith.constant 64 : index
        %get3A_775 = tpu.vector_load %arg10[%get3A_773, %get3A_774] {strides = array<i32>} : memref<512x128xf32, #tpu.memory_space<vmem>>, vector<16xf32>,
        %mul3A_776 = arith.mulf %get3A_775, %get3A_110 : vector<16xf32>
        %add3A_777 = arith.addf %add3A_772, %mul3A_776 : vector<16xf32>
        %get3A_778 = arith.index_cast %add3A_753 : i32 to index
        %get3A_779 = arith.constant 80 : index
        %get3A_780 = tpu.vector_load %arg10[%get3A_778, %get3A_779] {strides = array<i32>} : memref<512x128xf32, #tpu.memory_space<vmem>>, vector<16xf32>,
        %mul3A_781 = arith.mulf %get3A_780, %get3A_112 : vector<16xf32>
        %add3A_782 = arith.addf %add3A_777, %mul3A_781 : vector<16xf32>
        %get3A_783 = arith.index_cast %add3A_753 : i32 to index
        %get3A_784 = arith.constant 96 : index
        %get3A_785 = tpu.vector_load %arg10[%get3A_783, %get3A_784] {strides = array<i32>} : memref<512x128xf32, #tpu.memory_space<vmem>>, vector<16xf32>,
        %mul3A_786 = arith.mulf %get3A_785, %get3A_114 : vector<16xf32>
        %add3A_787 = arith.addf %add3A_782, %mul3A_786 : vector<16xf32>
        %get3A_788 = arith.index_cast %add3A_753 : i32 to index
        %get3A_789 = arith.constant 112 : index
        %get3A_790 = tpu.vector_load %arg10[%get3A_788, %get3A_789] {strides = array<i32>} : memref<512x128xf32, #tpu.memory_space<vmem>>, vector<16xf32>,
        %mul3A_791 = arith.mulf %get3A_790, %get3A_116 : vector<16xf32>
        %add3A_792 = arith.addf %add3A_787, %mul3A_791 : vector<16xf32>
        %eq3A_793 = arith.constant 12 : i32
        %eq3A_794 = vector.broadcast %eq3A_793 : i32 to vector<16xi32>
        %eq3A_795 = arith.cmpi eq, %iota3A, %eq3A_794 : vector<16xi32>
        %reduce_sum3A_796 = arith.constant true
        %reduce_sum3A_797 = vector.broadcast %reduce_sum3A_796 : i1 to vector<16xi1>
        %reduce_sum3A_798 = tpu.scan <sum>, %add3A_792 masked %reduce_sum3A_797 : vector<16xf32>, vector<16xi1> -> vector<16xf32>
        %reduce_sum3A_799 = vector.extract %reduce_sum3A_798[15] : f32 from vector<16xf32>
        %broadcast_in_dim3A_800 = vector.broadcast %reduce_sum3A_799 : f32 to vector<16xf32>
        %select_n3A_801 = arith.select %eq3A_795, %broadcast_in_dim3A_800, %select_n3A_751 : vector<16xi1>, vector<16xf32>
        %add3A_802 = arith.constant 13 : i32
        %add3A_803 = arith.addi %add3A_153, %add3A_802 : i32
        %get3A_804 = arith.index_cast %add3A_803 : i32 to index
        %get3A_805 = arith.constant 0 : index
        %get3A_806 = tpu.vector_load %arg10[%get3A_804, %get3A_805] {strides = array<i32>} : memref<512x128xf32, #tpu.memory_space<vmem>>, vector<16xf32>,
        %mul3A_807 = arith.mulf %get3A_806, %get3A_102 : vector<16xf32>
        %get3A_808 = arith.index_cast %add3A_803 : i32 to index
        %get3A_809 = arith.constant 16 : index
        %get3A_810 = tpu.vector_load %arg10[%get3A_808, %get3A_809] {strides = array<i32>} : memref<512x128xf32, #tpu.memory_space<vmem>>, vector<16xf32>,
        %mul3A_811 = arith.mulf %get3A_810, %get3A_104 : vector<16xf32>
        %add3A_812 = arith.addf %mul3A_807, %mul3A_811 : vector<16xf32>
        %get3A_813 = arith.index_cast %add3A_803 : i32 to index
        %get3A_814 = arith.constant 32 : index
        %get3A_815 = tpu.vector_load %arg10[%get3A_813, %get3A_814] {strides = array<i32>} : memref<512x128xf32, #tpu.memory_space<vmem>>, vector<16xf32>,
        %mul3A_816 = arith.mulf %get3A_815, %get3A_106 : vector<16xf32>
        %add3A_817 = arith.addf %add3A_812, %mul3A_816 : vector<16xf32>
        %get3A_818 = arith.index_cast %add3A_803 : i32 to index
        %get3A_819 = arith.constant 48 : index
        %get3A_820 = tpu.vector_load %arg10[%get3A_818, %get3A_819] {strides = array<i32>} : memref<512x128xf32, #tpu.memory_space<vmem>>, vector<16xf32>,
        %mul3A_821 = arith.mulf %get3A_820, %get3A_108 : vector<16xf32>
        %add3A_822 = arith.addf %add3A_817, %mul3A_821 : vector<16xf32>
        %get3A_823 = arith.index_cast %add3A_803 : i32 to index
        %get3A_824 = arith.constant 64 : index
        %get3A_825 = tpu.vector_load %arg10[%get3A_823, %get3A_824] {strides = array<i32>} : memref<512x128xf32, #tpu.memory_space<vmem>>, vector<16xf32>,
        %mul3A_826 = arith.mulf %get3A_825, %get3A_110 : vector<16xf32>
        %add3A_827 = arith.addf %add3A_822, %mul3A_826 : vector<16xf32>
        %get3A_828 = arith.index_cast %add3A_803 : i32 to index
        %get3A_829 = arith.constant 80 : index
        %get3A_830 = tpu.vector_load %arg10[%get3A_828, %get3A_829] {strides = array<i32>} : memref<512x128xf32, #tpu.memory_space<vmem>>, vector<16xf32>,
        %mul3A_831 = arith.mulf %get3A_830, %get3A_112 : vector<16xf32>
        %add3A_832 = arith.addf %add3A_827, %mul3A_831 : vector<16xf32>
        %get3A_833 = arith.index_cast %add3A_803 : i32 to index
        %get3A_834 = arith.constant 96 : index
        %get3A_835 = tpu.vector_load %arg10[%get3A_833, %get3A_834] {strides = array<i32>} : memref<512x128xf32, #tpu.memory_space<vmem>>, vector<16xf32>,
        %mul3A_836 = arith.mulf %get3A_835, %get3A_114 : vector<16xf32>
        %add3A_837 = arith.addf %add3A_832, %mul3A_836 : vector<16xf32>
        %get3A_838 = arith.index_cast %add3A_803 : i32 to index
        %get3A_839 = arith.constant 112 : index
        %get3A_840 = tpu.vector_load %arg10[%get3A_838, %get3A_839] {strides = array<i32>} : memref<512x128xf32, #tpu.memory_space<vmem>>, vector<16xf32>,
        %mul3A_841 = arith.mulf %get3A_840, %get3A_116 : vector<16xf32>
        %add3A_842 = arith.addf %add3A_837, %mul3A_841 : vector<16xf32>
        %eq3A_843 = arith.constant 13 : i32
        %eq3A_844 = vector.broadcast %eq3A_843 : i32 to vector<16xi32>
        %eq3A_845 = arith.cmpi eq, %iota3A, %eq3A_844 : vector<16xi32>
        %reduce_sum3A_846 = arith.constant true
        %reduce_sum3A_847 = vector.broadcast %reduce_sum3A_846 : i1 to vector<16xi1>
        %reduce_sum3A_848 = tpu.scan <sum>, %add3A_842 masked %reduce_sum3A_847 : vector<16xf32>, vector<16xi1> -> vector<16xf32>
        %reduce_sum3A_849 = vector.extract %reduce_sum3A_848[15] : f32 from vector<16xf32>
        %broadcast_in_dim3A_850 = vector.broadcast %reduce_sum3A_849 : f32 to vector<16xf32>
        %select_n3A_851 = arith.select %eq3A_845, %broadcast_in_dim3A_850, %select_n3A_801 : vector<16xi1>, vector<16xf32>
        %add3A_852 = arith.constant 14 : i32
        %add3A_853 = arith.addi %add3A_153, %add3A_852 : i32
        %get3A_854 = arith.index_cast %add3A_853 : i32 to index
        %get3A_855 = arith.constant 0 : index
        %get3A_856 = tpu.vector_load %arg10[%get3A_854, %get3A_855] {strides = array<i32>} : memref<512x128xf32, #tpu.memory_space<vmem>>, vector<16xf32>,
        %mul3A_857 = arith.mulf %get3A_856, %get3A_102 : vector<16xf32>
        %get3A_858 = arith.index_cast %add3A_853 : i32 to index
        %get3A_859 = arith.constant 16 : index
        %get3A_860 = tpu.vector_load %arg10[%get3A_858, %get3A_859] {strides = array<i32>} : memref<512x128xf32, #tpu.memory_space<vmem>>, vector<16xf32>,
        %mul3A_861 = arith.mulf %get3A_860, %get3A_104 : vector<16xf32>
        %add3A_862 = arith.addf %mul3A_857, %mul3A_861 : vector<16xf32>
        %get3A_863 = arith.index_cast %add3A_853 : i32 to index
        %get3A_864 = arith.constant 32 : index
        %get3A_865 = tpu.vector_load %arg10[%get3A_863, %get3A_864] {strides = array<i32>} : memref<512x128xf32, #tpu.memory_space<vmem>>, vector<16xf32>,
        %mul3A_866 = arith.mulf %get3A_865, %get3A_106 : vector<16xf32>
        %add3A_867 = arith.addf %add3A_862, %mul3A_866 : vector<16xf32>
        %get3A_868 = arith.index_cast %add3A_853 : i32 to index
        %get3A_869 = arith.constant 48 : index
        %get3A_870 = tpu.vector_load %arg10[%get3A_868, %get3A_869] {strides = array<i32>} : memref<512x128xf32, #tpu.memory_space<vmem>>, vector<16xf32>,
        %mul3A_871 = arith.mulf %get3A_870, %get3A_108 : vector<16xf32>
        %add3A_872 = arith.addf %add3A_867, %mul3A_871 : vector<16xf32>
        %get3A_873 = arith.index_cast %add3A_853 : i32 to index
        %get3A_874 = arith.constant 64 : index
        %get3A_875 = tpu.vector_load %arg10[%get3A_873, %get3A_874] {strides = array<i32>} : memref<512x128xf32, #tpu.memory_space<vmem>>, vector<16xf32>,
        %mul3A_876 = arith.mulf %get3A_875, %get3A_110 : vector<16xf32>
        %add3A_877 = arith.addf %add3A_872, %mul3A_876 : vector<16xf32>
        %get3A_878 = arith.index_cast %add3A_853 : i32 to index
        %get3A_879 = arith.constant 80 : index
        %get3A_880 = tpu.vector_load %arg10[%get3A_878, %get3A_879] {strides = array<i32>} : memref<512x128xf32, #tpu.memory_space<vmem>>, vector<16xf32>,
        %mul3A_881 = arith.mulf %get3A_880, %get3A_112 : vector<16xf32>
        %add3A_882 = arith.addf %add3A_877, %mul3A_881 : vector<16xf32>
        %get3A_883 = arith.index_cast %add3A_853 : i32 to index
        %get3A_884 = arith.constant 96 : index
        %get3A_885 = tpu.vector_load %arg10[%get3A_883, %get3A_884] {strides = array<i32>} : memref<512x128xf32, #tpu.memory_space<vmem>>, vector<16xf32>,
        %mul3A_886 = arith.mulf %get3A_885, %get3A_114 : vector<16xf32>
        %add3A_887 = arith.addf %add3A_882, %mul3A_886 : vector<16xf32>
        %get3A_888 = arith.index_cast %add3A_853 : i32 to index
        %get3A_889 = arith.constant 112 : index
        %get3A_890 = tpu.vector_load %arg10[%get3A_888, %get3A_889] {strides = array<i32>} : memref<512x128xf32, #tpu.memory_space<vmem>>, vector<16xf32>,
        %mul3A_891 = arith.mulf %get3A_890, %get3A_116 : vector<16xf32>
        %add3A_892 = arith.addf %add3A_887, %mul3A_891 : vector<16xf32>
        %eq3A_893 = arith.constant 14 : i32
        %eq3A_894 = vector.broadcast %eq3A_893 : i32 to vector<16xi32>
        %eq3A_895 = arith.cmpi eq, %iota3A, %eq3A_894 : vector<16xi32>
        %reduce_sum3A_896 = arith.constant true
        %reduce_sum3A_897 = vector.broadcast %reduce_sum3A_896 : i1 to vector<16xi1>
        %reduce_sum3A_898 = tpu.scan <sum>, %add3A_892 masked %reduce_sum3A_897 : vector<16xf32>, vector<16xi1> -> vector<16xf32>
        %reduce_sum3A_899 = vector.extract %reduce_sum3A_898[15] : f32 from vector<16xf32>
        %broadcast_in_dim3A_900 = vector.broadcast %reduce_sum3A_899 : f32 to vector<16xf32>
        %select_n3A_901 = arith.select %eq3A_895, %broadcast_in_dim3A_900, %select_n3A_851 : vector<16xi1>, vector<16xf32>
        %add3A_902 = arith.constant 15 : i32
        %add3A_903 = arith.addi %add3A_153, %add3A_902 : i32
        %get3A_904 = arith.index_cast %add3A_903 : i32 to index
        %get3A_905 = arith.constant 0 : index
        %get3A_906 = tpu.vector_load %arg10[%get3A_904, %get3A_905] {strides = array<i32>} : memref<512x128xf32, #tpu.memory_space<vmem>>, vector<16xf32>,
        %mul3A_907 = arith.mulf %get3A_906, %get3A_102 : vector<16xf32>
        %get3A_908 = arith.index_cast %add3A_903 : i32 to index
        %get3A_909 = arith.constant 16 : index
        %get3A_910 = tpu.vector_load %arg10[%get3A_908, %get3A_909] {strides = array<i32>} : memref<512x128xf32, #tpu.memory_space<vmem>>, vector<16xf32>,
        %mul3A_911 = arith.mulf %get3A_910, %get3A_104 : vector<16xf32>
        %add3A_912 = arith.addf %mul3A_907, %mul3A_911 : vector<16xf32>
        %get3A_913 = arith.index_cast %add3A_903 : i32 to index
        %get3A_914 = arith.constant 32 : index
        %get3A_915 = tpu.vector_load %arg10[%get3A_913, %get3A_914] {strides = array<i32>} : memref<512x128xf32, #tpu.memory_space<vmem>>, vector<16xf32>,
        %mul3A_916 = arith.mulf %get3A_915, %get3A_106 : vector<16xf32>
        %add3A_917 = arith.addf %add3A_912, %mul3A_916 : vector<16xf32>
        %get3A_918 = arith.index_cast %add3A_903 : i32 to index
        %get3A_919 = arith.constant 48 : index
        %get3A_920 = tpu.vector_load %arg10[%get3A_918, %get3A_919] {strides = array<i32>} : memref<512x128xf32, #tpu.memory_space<vmem>>, vector<16xf32>,
        %mul3A_921 = arith.mulf %get3A_920, %get3A_108 : vector<16xf32>
        %add3A_922 = arith.addf %add3A_917, %mul3A_921 : vector<16xf32>
        %get3A_923 = arith.index_cast %add3A_903 : i32 to index
        %get3A_924 = arith.constant 64 : index
        %get3A_925 = tpu.vector_load %arg10[%get3A_923, %get3A_924] {strides = array<i32>} : memref<512x128xf32, #tpu.memory_space<vmem>>, vector<16xf32>,
        %mul3A_926 = arith.mulf %get3A_925, %get3A_110 : vector<16xf32>
        %add3A_927 = arith.addf %add3A_922, %mul3A_926 : vector<16xf32>
        %get3A_928 = arith.index_cast %add3A_903 : i32 to index
        %get3A_929 = arith.constant 80 : index
        %get3A_930 = tpu.vector_load %arg10[%get3A_928, %get3A_929] {strides = array<i32>} : memref<512x128xf32, #tpu.memory_space<vmem>>, vector<16xf32>,
        %mul3A_931 = arith.mulf %get3A_930, %get3A_112 : vector<16xf32>
        %add3A_932 = arith.addf %add3A_927, %mul3A_931 : vector<16xf32>
        %get3A_933 = arith.index_cast %add3A_903 : i32 to index
        %get3A_934 = arith.constant 96 : index
        %get3A_935 = tpu.vector_load %arg10[%get3A_933, %get3A_934] {strides = array<i32>} : memref<512x128xf32, #tpu.memory_space<vmem>>, vector<16xf32>,
        %mul3A_936 = arith.mulf %get3A_935, %get3A_114 : vector<16xf32>
        %add3A_937 = arith.addf %add3A_932, %mul3A_936 : vector<16xf32>
        %get3A_938 = arith.index_cast %add3A_903 : i32 to index
        %get3A_939 = arith.constant 112 : index
        %get3A_940 = tpu.vector_load %arg10[%get3A_938, %get3A_939] {strides = array<i32>} : memref<512x128xf32, #tpu.memory_space<vmem>>, vector<16xf32>,
        %mul3A_941 = arith.mulf %get3A_940, %get3A_116 : vector<16xf32>
        %add3A_942 = arith.addf %add3A_937, %mul3A_941 : vector<16xf32>
        %eq3A_943 = arith.constant 15 : i32
        %eq3A_944 = vector.broadcast %eq3A_943 : i32 to vector<16xi32>
        %eq3A_945 = arith.cmpi eq, %iota3A, %eq3A_944 : vector<16xi32>
        %reduce_sum3A_946 = arith.constant true
        %reduce_sum3A_947 = vector.broadcast %reduce_sum3A_946 : i1 to vector<16xi1>
        %reduce_sum3A_948 = tpu.scan <sum>, %add3A_942 masked %reduce_sum3A_947 : vector<16xf32>, vector<16xi1> -> vector<16xf32>
        %reduce_sum3A_949 = vector.extract %reduce_sum3A_948[15] : f32 from vector<16xf32>
        %broadcast_in_dim3A_950 = vector.broadcast %reduce_sum3A_949 : f32 to vector<16xf32>
        %select_n3A_951 = arith.select %eq3A_945, %broadcast_in_dim3A_950, %select_n3A_901 : vector<16xi1>, vector<16xf32>
        %swap3A_952 = arith.index_cast %add3A_153 : i32 to index
        %swap3A_953 = tpu.vector_load %arg11[%swap3A_952] {strides = array<i32>} : memref<512xf32, #tpu.memory_space<vmem>>, vector<16xf32>,
        tpu.vector_store %arg11[%swap3A_952], %select_n3A_951 {strides = array<i32>} : memref<512xf32, #tpu.memory_space<vmem>>, vector<16xf32>,
      }
      %scan3A_145 = arith.constant 2 : i32
    }
    %scan3A_121 = arith.constant 16 : i32
    "tpu.region"() ({
      %run_scoped3A = tpu.sem_alloc : memref<!tpu.dma_semaphore, #tpu.memory_space<semaphore_mem>>
      %dma_start3A_122 = tpu.memref_slice %arg6[%mul3A_2] : memref<16384xf32, #tpu.memory_space<hbm>> -> memref<512xf32, #tpu.memory_space<hbm>>
      %dma_start3A_123 = tpu.memref_slice %arg6[%mul3A_2] : memref<16384xf32, #tpu.memory_space<hbm>> -> memref<512xf32, #tpu.memory_space<hbm>>
      tpu.enqueue_dma source(%arg11 : memref<512xf32, #tpu.memory_space<vmem>>) target(%dma_start3A_123 : memref<512xf32, #tpu.memory_space<hbm>>) target_semaphore(%run_scoped3A : memref<!tpu.dma_semaphore, #tpu.memory_space<semaphore_mem>>)
      %dma_wait3A_124 = tpu.memref_slice %arg6[%mul3A_2] : memref<16384xf32, #tpu.memory_space<hbm>> -> memref<512xf32, #tpu.memory_space<hbm>>
      %dma_wait3A_125 = tpu.memref_slice %arg6[%mul3A_2] : memref<16384xf32, #tpu.memory_space<hbm>> -> memref<512xf32, #tpu.memory_space<hbm>>
      tpu.wait_dma2 semaphore(%run_scoped3A : memref<!tpu.dma_semaphore, #tpu.memory_space<semaphore_mem>>) src(%arg11 : memref<512xf32, #tpu.memory_space<vmem>>) dst(%dma_wait3A_125 : memref<512xf32, #tpu.memory_space<hbm>>)
      tpu.yield
    }) : () -> ()
    return
  }
}

</mosaic_0001>

<sc_bundles>
// kernel: _run.3.cloned.1.call-start
scs
__scs_entry_jumppad:
0x0: {  	(pc) =	sbr.rel $0x88, $3  }
0x1: {  	(tag) =	ssettag $0x0;
	lr =	simm.s32 $0x1  }
0x2: {  	[smem:$0x3F9D] =	sst lr;
	_ =	strace $0xD0000000  }
0x3: {  	_ = 	snop  }
0x4: {  	_ = 	snop  }
0x5: {  	_ = 	snop  }
0x6: {  	_ = 	snop  }
0x7: {  	_ = 	snop  }
__scs_overlays_trampoline_lowered:
0x8: {  	[smem:$0x3FAC] =	sst s0  }
0x9: {  	[smem:$0x3FAD] =	sst s1  }
0xa: {  	[smem:$0x3FAE] =	sst s2  }
0xb: {  	[smem:$0x3FAF] =	sst s3  }
0xc: {  	[smem:$0x3FB0] =	sst s4  }
0xd: {  	[smem:$0x3FB1] =	sst s5  }
0xe: {  	[smem:$0x3FB2] =	sst s6  }
0xf: {  	[smem:$0x3FB3] =	sst s7  }
0x10: {  	[smem:$0x3FB4] =	sst s8  }
0x11: {  	[smem:$0x3FB5] =	sst s9;
	s0 =	simm.s32 @!p0 $0x0  }
0x12: {  	s1 =	sld [smem:$0x3F9B];
	s0 =	simm.s32 @p0 $0x1  }
0x13: {  	[smem:$0x3FB6] =	sst s0;
	s0 =	simm.s32 @!p1 $0x0  }
0x14: {  	s2 =	sld [smem:$0x3F9A];
	s0 =	simm.s32 @p1 $0x1  }
0x15: {  	[smem:$0x3FB7] =	sst s0;
	s0 =	simm.s32 @!p2 $0x0  }
0x16: {  	s3 =	sld [smem:$0x3FDB];
	s0 =	simm.s32 @p2 $0x1  }
0x17: {  	s4 =	simm.s32 $0x1BF5;
	[smem:$0x3FB9] =	sst s0  }
0x18: {  	s0 =	sld [smem:$0x3F9C];
	_ =	swait.ge [sflag:s4], $0x0  }
0x19: {  	s7 =	sld [smem:$0x3F9D]  }
0x1a: {  	s8 =	sadd.s32 $0xFFFFE003, lr  }
0x1b: {  	s9 =	sadd.s32 $0xFFFFFEF7, lr;
	s5 =	simm.s32 $0xFFFFFFFF;
	p2 =	slt.u32 s8, $0xFFFFF086  }
0x1c: {  	p1 =	slt.u32 s9, $0xF7A;
	s5 =	simm.s32 @!p2 $0x0  }
0x1d: {  	s5 =	simm.s32 @p1 $0x1;
	p0 =	seq.s32 s7, s2  }
0x1e: {  	s7 =	smul.u32 @!p0 $0xF7A, s2;
	p2 =	seq.s32 @!p0 s5, $0x0  }
0x1f: {  	s9 =	smul.u32 $0xF7A, s1;
	s8 =	simm.s32 @!p0 $0x1BF5;
	p2 =	por !p2, p0  }
0x20: {  	[sflag:s8] =	ssyncset.s32 @!p0 $0xFFFFF086;
	s6 =	sadd.s32 @!p0 s3, s7;
	s7 =	simm.s32 @!p0 $0x108  }
0x21: {  	s3 =	sadd.s32 s3, s9;
	s6 =	sadd.s32 @!p0 $0x88, s6;
	s7 =	simm.s32 @p2 $0x1082  }
0x22: {  	[simem:s7], [sflag:s8] =	dma.local @!p0 [hbm:s6], $0xF7A  }
0x23: {  	s9 =	sor.u32 $0xD0000000, s2;
	s6 =	simm.s32 $0x108;
	_ =	swait.ge @!p0 [sflag:s8], $0x0  }
0x24: {  	s3 =	sadd.s32 $0x88, s3;
	s6 =	simm.s32 @!p1 $0x1082;
	[sflag:s4] =	ssyncset.s32 $0xFFFFF086  }
0x25: {  	[simem:s6], [sflag:s4] =	dma.local [hbm:s3], $0xF7A  }
0x26: {  	[smem:$0x3F9D] =	sst s1;
	(tag) =	ssettag s2;
	_ =	strace s9  }
0x27: {  	s1 =	sld [smem:$0x3FAD]  }
0x28: {  	s2 =	sld [smem:$0x3FAE]  }
0x29: {  	s4 =	sld [smem:$0x3FB0]  }
0x2a: {  	p0 =	seq.s32 s5, $0x0;
	s5 =	sld [smem:$0x3FB1]  }
0x2b: {  	s6 =	sld [smem:$0x3FB2]  }
0x2c: {  	s7 =	sld [smem:$0x3FB3]  }
0x2d: {  	s3 =	simm.s32 $0x108;
	s8 =	sld [smem:$0x3FB4]  }
0x2e: {  	s3 =	simm.s32 @!p0 $0x1082;
	s9 =	sld [smem:$0x3FB5]  }
0x2f: {  	lr =	sadd.s32 s0, s3;
	s0 =	sld [smem:$0x3FAC]  }
0x30: {  	s3 =	sld [smem:$0x3FAF]  }
0x31: {  	[smem:$0x3FB8] =	sst s10  }
0x32: {  	s10 =	sld [smem:$0x3FB6];
	_ =	sdelay $0x3  }
0x33: {  	p0 =	seq.s32 s10, $0x1;
	s10 =	sld [smem:$0x3FB8];
	_ =	sdelay $0x3  }
0x34: {  	[smem:$0x3FB8] =	sst s10  }
0x35: {  	s10 =	sld [smem:$0x3FB7];
	_ =	sdelay $0x3  }
0x36: {  	p1 =	seq.s32 s10, $0x1;
	s10 =	sld [smem:$0x3FB8];
	_ =	sdelay $0x3  }
0x37: {  	[smem:$0x3FB8] =	sst s10  }
0x38: {  	s10 =	sld [smem:$0x3FB9]  }
0x39: {  	_ = 	snop;
	(pc) =	sbr.ind lr, $3  }
0x3a: {  	_ = 	snop  }
0x3b: {  	_ = 	snop  }
0x3c: {  	p2 =	seq.s32 s10, $0x1;
	s10 =	sld [smem:$0x3FB8]  }
0x3d: {  	_ =	shalt  }
0x3e: {  	_ =	shalt  }
0x3f: {  	_ =	shalt  }
0x40: {  	_ =	shalt  }
0x41: {  	_ =	shalt  }
0x42: {  	_ =	shalt  }
0x43: {  	_ =	shalt  }
0x44: {  	_ =	shalt  }
0x45: {  	_ =	shalt  }
0x46: {  	_ =	shalt  }
0x47: {  	_ =	shalt  }
0x48: {  	_ =	shalt  }
0x49: {  	_ =	shalt  }
0x4a: {  	_ =	shalt  }
0x4b: {  	_ =	shalt  }
0x4c: {  	_ =	shalt  }
0x4d: {  	_ =	shalt  }
0x4e: {  	_ =	shalt  }
0x4f: {  	_ =	shalt  }
0x50: {  	_ =	shalt  }
0x51: {  	_ =	shalt  }
0x52: {  	_ =	shalt  }
0x53: {  	_ =	shalt  }
0x54: {  	_ =	shalt  }
0x55: {  	_ =	shalt  }
0x56: {  	_ =	shalt  }
0x57: {  	_ =	shalt  }
0x58: {  	_ =	shalt  }
0x59: {  	_ =	shalt  }
0x5a: {  	_ =	shalt  }
0x5b: {  	_ =	shalt  }
0x5c: {  	_ =	shalt  }
0x5d: {  	_ =	shalt  }
0x5e: {  	_ =	shalt  }
0x5f: {  	_ =	shalt  }
0x60: {  	_ =	shalt  }
0x61: {  	_ =	shalt  }
0x62: {  	_ =	shalt  }
0x63: {  	_ =	shalt  }
0x64: {  	_ =	shalt  }
0x65: {  	_ =	shalt  }
0x66: {  	_ =	shalt  }
0x67: {  	_ =	shalt  }
0x68: {  	_ =	shalt  }
0x69: {  	_ =	shalt  }
0x6a: {  	_ =	shalt  }
0x6b: {  	_ =	shalt  }
0x6c: {  	_ =	shalt  }
0x6d: {  	_ =	shalt  }
0x6e: {  	_ =	shalt  }
0x6f: {  	_ =	shalt  }
0x70: {  	_ =	shalt  }
0x71: {  	_ =	shalt  }
0x72: {  	_ =	shalt  }
0x73: {  	_ =	shalt  }
0x74: {  	_ =	shalt  }
0x75: {  	_ =	shalt  }
0x76: {  	_ =	shalt  }
0x77: {  	_ =	shalt  }
0x78: {  	_ =	shalt  }
0x79: {  	_ =	shalt  }
0x7a: {  	_ =	shalt  }
0x7b: {  	_ =	shalt  }
0x7c: {  	_ =	shalt  }
0x7d: {  	_ =	shalt  }
0x7e: {  	_ =	shalt  }
0x7f: {  	_ =	shalt  }
0x80: {  	_ =	shalt  }
0x81: {  	_ =	shalt  }
0x82: {  	_ =	shalt  }
0x83: {  	_ =	shalt  }
0x84: {  	_ =	shalt  }
0x85: {  	_ =	shalt  }
0x86: {  	_ =	shalt  }
0x87: {  	_ =	shalt  }
.Lfunc_end0:
.L_simem_size_0:
called_computation_lowered:
.L_overlay_start_0:
0x88: {  	s2 =	sld [smem:$0x3FD9]  }
0x89: {  	s3 =	sld [smem:$0x3FFE];
	_ =	sdelay $0x1  }
0x8a: {  	s1 =	srdreg.scid  }
0x8b: {  	s0 =	sand.u32 $0x1, s1  }
0x8c: {  	s18 =	sshll.u32 s0, $0xA;
	s2 =	sadd.s32 s3, s2  }
0x8d: {  	s2 =	sadd.s32 s2, s18  }
0x8e: {  	[smem:$0x3FC4] =	sst s2  }
0x8f: {  	_ = 	snop  }
0x90: {  	s2 =	sld [smem:$0x3FC9]  }
0x91: {  	s19 =	sld [smem:$0x3FC8]  }
0x92: {  	s4 =	sld [smem:$0x3FC7]  }
0x93: {  	s5 =	sld [smem:$0x3FC6]  }
0x94: {  	s6 =	sld [smem:$0x3FD0];
	(tm) =	ssettm $0x1  }
0x95: {  	s7 =	sld [smem:$0x3FFB];
	_ =	sdelay $0x3  }
0x96: {  	_ =	strace s7  }
0x97: {  	s7 =	sld [smem:$0x3FFC];
	_ =	sdelay $0x3  }
0x98: {  	_ =	strace s7  }
0x99: {  	s7 =	sld [smem:$0x3FFD];
	_ =	sdelay $0x3  }
0x9a: {  	_ =	strace s7  }
0x9b: {  	_ =	strace $0x8FFFFFFF  }
0x9c: {  	s20 =	sld [smem:$0x3FDB];
	_ =	sdelay $0x1  }
0x9d: {  	s8 =	simm.s32 $_scs_section_size  }
0x9e: {  	s9 =	simm.s32 $_size__tile_overlayer_lowered;
	s10 =	simm.s32 $_tile_overlayer_lowered  }
0x9f: {  	s23 =	simm.s32 $0x1BFF;
	s22 =	sshll.u32 s10, $0x1;
	s7 =	sadd.s32 s8, s20  }
0xa0: {  	s11 =	simm.s32 $0x0;
	s21 =	sshll.u32 s9, $0x1;
	s9 =	sadd.s32 s22, s7  }
0xa1: {  	[timem:s11], [sflag:s23] =	dma.local [hbm:s9], s21  }
0xa2: {  	_ =	swait.ge [sflag:s23], s21  }
0xa3: {  	s8 =	ssub.s32 $0x0, s21;
	[sflag:s23] =	ssyncset.done $0x0  }
0xa4: {  	[sflag:s23] =	ssyncadd.s32 s8;
	_ =	sdelay $0x1  }
0xa5: {  	s24 =	simm.s32 $0x1B8B  }
0xa6: {  	_ =	swait.ge [sflag:s24], $0x1  }
0xa7: {  	[sflag:s24] =	ssyncset.done $0x0  }
0xa8: {  	s25 =	simm.s32 $0x1B8E;
	[sflag:s24] =	ssyncadd.s32 $0xFFFFFFFF  }
0xa9: {  	s26 =	simm.s32 $execute0_lowered;
	[smem:$0x3FD2] =	sst s25  }
0xaa: {  	s8 =	sshll.u32 s26, $0x1;
	_ =	strace $0x80000046;
	[dreg:$0x1] =	wrdreg $0xFFFFFFFF  }
0xab: {  	s28 =	simm.s32 $_size_execute0_lowered;
	s7 =	sadd.s32 s7, s8;
	[dreg:$0x0] =	wrdreg $0x0  }
0xac: {  	s8 =	sshll.u32 s28, $0x1;
	[dreg:$0x2] =	wrdreg s7  }
0xad: {  	[dreg:$0x3] =	wrdreg s8  }
0xae: {  	[dreg:$0x4] =	wrdreg $0xC0  }
0xaf: {  	_ =	task [dreg:s11], $0x5FFFF  }
0xb0: {  	[dreg:$0x1] =	wrdreg $0xFFFFFFFF  }
0xb1: {  	[dreg:$0x0] =	wrdreg $0x60  }
0xb2: {  	[dreg:$0x2] =	wrdreg s2  }
0xb3: {  	[dreg:$0x3] =	wrdreg s19  }
0xb4: {  	[dreg:$0x4] =	wrdreg s4  }
0xb5: {  	[dreg:$0x5] =	wrdreg s5  }
0xb6: {  	[dreg:$0x6] =	wrdreg s6  }
0xb7: {  	[dreg:$0x7] =	wrdreg $0x9  }
0xb8: {  	_ =	task.clear_ibuf [dreg:s11], $0x8FFFF;
	_ =	strace $0x90000046  }
0xb9: {  	s29 =	simm.s32 $0x9;
	_ =	strace $0x80000048  }
0xba: {  	_ =	swait.ge [sflag:s29], $0x1  }
0xbb: {  	[sflag:s29] =	ssyncadd.s32 $0xFFFFFFFF  }
0xbc: {  	_ =	strace $0x90000048  }
0xbd: {  	_ =	sfence  }
0xbe: {  	s30 =	sld [smem:$0x0];
	_ =	sdelay $0x2  }
0xbf: {  	s31 =	sshll.u32 s1, $0xD;
	s1 =	sshrl.u32 s1, $0x2  }
0xc0: {  	s3 =	sand.u32 $0x4000, s31;
	s1 =	sadd.s32 s1, s30  }
0xc1: {  	s0 =	sor.u32 s3, s0;
	s1 =	sshll.u32 s1, $0x11  }
0xc2: {  	s0 =	sor.u32 s1, s0  }
0xc3: {  	s0 =	sadd.s32 $0x8F2B, s0  }
0xc4: {  	[sflag:s0] =	ssyncadd.remote.s32 $0x1  }
0xc5: {  	_ =	sfence.sel $0xFFFF  }
0xc6: {  	[dreg:$0x0] =	wrdreg $0xFFFFFFFF;
	(pc) =	sbr.abs _section_cstart, $3  }
0xc7: {  	[dreg:$0x1] =	wrdreg $0xFFFFFFFF  }
0xc8: {  	_ =	task.clear_ibuf [dreg:s11], $0x2FFFF;
	_ =	strace $0x9FFFFFFF  }
0xc9: {  	(tm) =	ssettm $0x7FFFFFFF  }
tec
execute0_lowered:
.L_overlay_start_1:
0x0: {  	(tag) =	ssettag $0x1  }
0x1: {  	s7 =	rddreg [dreg:$0x0]  }
0x2: {  	s8 =	rddreg [dreg:$0x1]  }
0x3: {  	s1 =	rddreg [dreg:$0x2]  }
0x4: {  	s2 =	rddreg [dreg:$0x3]  }
0x5: {  	s9 =	rddreg [dreg:$0x4]  }
0x6: {  	s0 =	rddreg [dreg:$0x5];
	s4 =	simm.s32 $0x0;
	s5 =	srdreg.scid  }
0x7: {  	s3 =	stileid.u32;
	s13 =	simm.s32 $0x220;
	s14 =	simm.s32 $0x400  }
0x8: {  	s15 =	simm.s32 $0x1;
	s16 =	simm.s32 $0x480;
	s17 =	simm.s32 $0x2  }
0x9: {  	s18 =	simm.s32 $0x10480;
	s19 =	simm.s32 $0x13;
	s5 =	sand.u32 $0x1, s5  }
0xa: {  	s20 =	simm.s32 $0x0;
	[smem:$0x7FF] =	sst s4;
	s6 =	ssub.s32 $0x2, s5  }
0xb: {  	vm0 =	vmmov $0x1;
	vm1 =	vmmov $0x3;
	vm2 =	vmmov $0x7;
	s10 =	sshll.u32 s3, $0x7;
	s5 =	sshll.u32 s5, $0x6;
	s11 =	sshrl.u32 s6, $0x1  }
0xc: {  	vm3 =	vmmov $0xf;
	vm4 =	vmmov $0x1f;
	vm5 =	vmmov $0x3f;
	_ =	strace $0x80000047;
	s10 =	sor.u32 s5, s10;
	s11 =	ssub.s32 s6, s11  }
0xd: {  	vm6 =	vmmov $0x7f;
	vm7 =	vmmov $0xff;
	vm8 =	vmmov $0x1ff;
	s5 =	sadd.s32 s7, s10;
	s12 =	sor.u32 $0x4, s10;
	s6 =	sadd.s32 s8, s10  }
0xe: {  	vm9 =	vmmov $0x3ff;
	vm10 =	vmmov $0x7ff;
	vm11 =	vmmov $0xfff;
	s9 =	sadd.s32 s9, s10;
	s7 =	sadd.s32 s7, s12;
	s8 =	sadd.s32 s8, s12  }
0xf: {  	vm12 =	vmmov $0x1fff;
	vm13 =	vmmov $0x3fff;
	vm14 =	vmmov $0x7fff;
	s10 =	smax.u32 s11, $0x1;
	s11 =	simm.s32 $0x200;
	s12 =	simm.s32 $0x20  }
.LBB2_1:
0x10: {  	[tilespmem:s4], [sflag:$0x1] =	stream.linear.gather [hbm4b:s5+s4], $0x20, $0x38;
	[tilespmem:$0x10680] =	vst v63  }
0x11: {  	_ = 	snop  }
0x12: {  	[tilespmem:s11], [sflag:$0x1] =	stream.linear.gather [hbm4b:s6+s4], $0x20, $0x38;
	[tilespmem:$0x10680] =	vst v63  }
0x13: {  	_ = 	snop  }
0x14: {  	[tilespmem:s12], [sflag:$0x2] =	stream.linear.gather [hbm4b:s7+s4], $0x1E0, $0x38;
	[tilespmem:$0x10680] =	vst v63  }
0x15: {  	_ = 	snop  }
0x16: {  	[tilespmem:s13], [sflag:$0x2] =	stream.linear.gather [hbm4b:s8+s4], $0x1E0, $0x38;
	[tilespmem:$0x10680] =	vst v63  }
0x17: {  	_ = 	snop  }
0x18: {  	[tilespmem:s14], [sflag:$0x2] =	stream.linear.gather [hbm4b:s2+s4], $0x80, $0x38;
	[tilespmem:$0x10680] =	vst v63  }
0x19: {  	_ =	swait.ge [sflag:s15], $0x20  }
0x1a: {  	[sflag:s15] =	ssyncset.done $0x0  }
0x1b: {  	[sflag:s15] =	ssyncadd.s32 $0xFFFFFFE0  }
0x1c: {  	_ =	swait.ge [sflag:s15], $0x20  }
0x1d: {  	[sflag:s15] =	ssyncset.done $0x0  }
0x1e: {  	[sflag:s15] =	ssyncadd.s32 $0xFFFFFFE0  }
0x1f: {  	v0 =	vld [tilespmem:$0x0]  }
0x20: {  	v1 =	vld [tilespmem:$0x200]  }
0x21: {  	v2 =	vld [tilespmem:$0x10]  }
0x22: {  	v3 =	vld [tilespmem:$0x210];
	_ =	sdelay $0x2  }
0x23: {  	v0 =	vshll.u32 v0, $0x2  }
0x24: {  	v0 =	vadd.s32 v1, v0;
	v1 =	vshll.u32 v2, $0x2  }
0x25: {  	[tilespmem:$0x0] =	vst v0;
	v0 =	vadd.s32 v3, v1  }
0x26: {  	[tilespmem:$0x10] =	vst v0  }
0x27: {  	[tilespmem:s16], [sflag:$0x3] =	stream.indirect.gather [hbm4b:s1+s12], $0x80, s4, s12, $0xb8;
	[tilespmem:$0x10680] =	vst v63  }
0x28: {  	_ =	swait.ge [sflag:s17], $0x1E0  }
0x29: {  	[sflag:s17] =	ssyncset.done $0x0  }
0x2a: {  	[sflag:s17] =	ssyncadd.s32 $0xFFFFFE20  }
0x2b: {  	_ =	swait.ge [sflag:s17], $0x1E0  }
0x2c: {  	[sflag:s17] =	ssyncset.done $0x0  }
0x2d: {  	s24 =	simm.s32 $0x0;
	[sflag:s17] =	ssyncadd.s32 $0xFFFFFE20  }
0x2e: {  	v0 =	vld [tilespmem:s24+$0x220]  }
0x2f: {  	v1 =	vld [tilespmem:s24+$0x20]  }
0x30: {  	v2 =	vld [tilespmem:s24+$0x30]  }
0x31: {  	v3 =	vld [tilespmem:s24+$0x230];
	_ =	sdelay $0x2  }
0x32: {  	v1 =	vshll.u32 v1, $0x2  }
0x33: {  	v0 =	vadd.s32 v0, v1;
	v1 =	vshll.u32 v2, $0x2  }
0x34: {  	s21 =	simm.s32 $0x1480;
	[tilespmem:s24+$0x20] =	vst v0;
	v0 =	vadd.s32 v3, v1  }
0x35: {  	s22 =	simm.s32 $0x4;
	s23 =	simm.s32 $0x20;
	s25 =	simm.s32 $0x20;
	[tilespmem:s24+$0x30] =	vst v0  }
0x36: {  	[tilespmem:s21], [sflag:s22] =	stream.indirect.gather [hbm4b:s1+s12], $0x80, s25, s12, $0xb8;
	[tilespmem:$0x10680] =	vst v63  }
0x37: {  	v0 =	vld [tilespmem:s23+$0x220]  }
0x38: {  	s24 =	simm.s32 $0x100;
	v1 =	vld [tilespmem:s23+$0x20]  }
.LBB2_2:
0x39: {  	p0 =	sne.s32 s24, $0x700;
	v2 =	vld [tilespmem:s23+$0x30]  }
0x3a: {  	v3 =	vld [tilespmem:s23+$0x230];
	_ =	sdelay $0x2  }
0x3b: {  	v1 =	vshll.u32 v1, $0x2  }
.Ltmp0:
0x3c: {  	s21 =	sadd.s32 $0x1000, s21;
	v0 =	vadd.s32 v0, v1;
	v1 =	vshll.u32 v2, $0x2;
	(pc) =	sbr.rel @p0 .LBB2_2-.Ltmp0, $4  }
0x3d: {  	s25 =	sshra.s32 s24, $0x2;
	s26 =	sadd.s32 $0x20, s23;
	s22 =	sadd.s32 $0x1, s22;
	[tilespmem:s23+$0x20] =	vst v0;
	v0 =	vadd.s32 v3, v1  }
0x3e: {  	[tilespmem:s23+$0x30] =	vst v0;
	[tilespmem:s21], [sflag:s22] =	stream.indirect.gather [hbm4b:s1+s12], $0x80, s26, s12, $0xb8  }
0x3f: {  	s23 =	smov.u32 s25;
	v0 =	vld [tilespmem:s25+$0x220]  }
0x40: {  	s24 =	sadd.s32 $0x80, s24;
	v1 =	vld [tilespmem:s23+$0x20]  }
0x41: {  	v2 =	vld [tilespmem:s23+$0x30]  }
0x42: {  	v3 =	vld [tilespmem:s23+$0x230];
	_ =	sdelay $0x2  }
0x43: {  	v1 =	vshll.u32 v1, $0x2  }
0x44: {  	v0 =	vadd.s32 v0, v1;
	v1 =	vshll.u32 v2, $0x2  }
0x45: {  	[tilespmem:s23+$0x20] =	vst v0;
	v0 =	vadd.s32 v3, v1  }
0x46: {  	s21 =	sadd.s32 $0x1000, s21;
	s24 =	sadd.s32 $0x20, s23;
	s22 =	sadd.s32 $0x1, s22;
	[tilespmem:s23+$0x30] =	vst v0  }
0x47: {  	[tilespmem:s21], [sflag:s22] =	stream.indirect.gather [hbm4b:s1+s12], $0x80, s24, s12, $0xb8;
	[tilespmem:$0x10680] =	vst v63  }
0x48: {  	_ =	swait.ge [sflag:s17], $0x80  }
0x49: {  	[sflag:s17] =	ssyncset.done $0x0  }
0x4a: {  	[sflag:s17] =	ssyncadd.s32 $0xFFFFFF80  }
0x4b: {  	v0 =	vld [tilespmem:$0x400]  }
0x4c: {  	v1 =	vld [tilespmem:$0x410]  }
0x4d: {  	v2 =	vld [tilespmem:$0x420]  }
0x4e: {  	v3 =	vld [tilespmem:$0x430]  }
0x4f: {  	v4 =	vld [tilespmem:$0x440]  }
0x50: {  	v5 =	vld [tilespmem:$0x450]  }
0x51: {  	v6 =	vld [tilespmem:$0x460]  }
0x52: {  	s21 =	simm.s32 $0x0;
	v7 =	vld [tilespmem:$0x470]  }
.LBB2_4:
0x53: {  	s23 =	sadd.s32 $0x3, s21  }
0x54: {  	_ =	swait.ge [sflag:s23], $0x1000  }
0x55: {  	s22 =	sshll.u32 s21, $0x5;
	[sflag:s23] =	ssyncset.done $0x0  }
0x56: {  	p0 =	por $0x1, $0x1;
	[sflag:s23] =	ssyncadd.s32 $0xFFFFF000;
	s23 =	simm.s32 $0x0  }
.LBB2_5:
0x57: {  	s23 =	sor.u32 s22, s23  }
0x58: {  	s24 =	sshll.u32 s23, $0x7  }
0x59: {  	s24 =	sand.u32 $0x3FFFFF80, s24  }
0x5a: {  	v8 =	vld [tilespmem:s24+$0x480]  }
0x5b: {  	v9 =	vld [tilespmem:s24+$0x490]  }
0x5c: {  	v10 =	vld [tilespmem:s24+$0x4A0]  }
0x5d: {  	v11 =	vld [tilespmem:s24+$0x4B0]  }
0x5e: {  	v19 =	vld [tilespmem:s24+$0x4C0]  }
0x5f: {  	v20 =	vld [tilespmem:s24+$0x4D0]  }
0x60: {  	v21 =	vld [tilespmem:s24+$0x4E0]  }
0x61: {  	v22 =	vld [tilespmem:s24+$0x4F0]  }
0x62: {  	v13 =	vld [tilespmem:s24+$0x500]  }
0x63: {  	v15 =	vld [tilespmem:s24+$0x510]  }
0x64: {  	v23 =	vld [tilespmem:s24+$0x520]  }
0x65: {  	v24 =	vld [tilespmem:s24+$0x530]  }
0x66: {  	v25 =	vld [tilespmem:s24+$0x540]  }
0x67: {  	v26 =	vld [tilespmem:s24+$0x550]  }
0x68: {  	v27 =	vld [tilespmem:s24+$0x560]  }
0x69: {  	v28 =	vld [tilespmem:s24+$0x570]  }
0x6a: {  	v29 =	vld [tilespmem:s24+$0x580]  }
0x6b: {  	v30 =	vld [tilespmem:s24+$0x590]  }
0x6c: {  	v31 =	vld [tilespmem:s24+$0x5A0]  }
0x6d: {  	v32 =	vld [tilespmem:s24+$0x5B0]  }
0x6e: {  	v33 =	vld [tilespmem:s24+$0x5C0]  }
0x6f: {  	v34 =	vld [tilespmem:s24+$0x5D0]  }
0x70: {  	v35 =	vld [tilespmem:s24+$0x5E0]  }
0x71: {  	v36 =	vld [tilespmem:s24+$0x5F0]  }
0x72: {  	v37 =	vld [tilespmem:s24+$0x600]  }
0x73: {  	v38 =	vld [tilespmem:s24+$0x610]  }
0x74: {  	v39 =	vld [tilespmem:s24+$0x620]  }
0x75: {  	v40 =	vld [tilespmem:s24+$0x630]  }
0x76: {  	v41 =	vld [tilespmem:s24+$0x640]  }
0x77: {  	v42 =	vld [tilespmem:s24+$0x650]  }
0x78: {  	v43 =	vld [tilespmem:s24+$0x660]  }
0x79: {  	v44 =	vld [tilespmem:s24+$0x670]  }
0x7a: {  	v45 =	vld [tilespmem:s24+$0x680]  }
0x7b: {  	v46 =	vld [tilespmem:s24+$0x690]  }
0x7c: {  	v47 =	vld [tilespmem:s24+$0x6A0]  }
0x7d: {  	v48 =	vld [tilespmem:s24+$0x6B0]  }
0x7e: {  	v49 =	vld [tilespmem:s24+$0x6C0]  }
0x7f: {  	v50 =	vld [tilespmem:s24+$0x6D0]  }
0x80: {  	v51 =	vld [tilespmem:s24+$0x6E0]  }
0x81: {  	v12 =	vld [tilespmem:s24+$0x6F0]  }
0x82: {  	v52 =	vld [tilespmem:s24+$0x700]  }
0x83: {  	v53 =	vld [tilespmem:s24+$0x710]  }
0x84: {  	v54 =	vld [tilespmem:s24+$0x720]  }
0x85: {  	v55 =	vld [tilespmem:s24+$0x730]  }
0x86: {  	v56 =	vld [tilespmem:s24+$0x740]  }
0x87: {  	v57 =	vld [tilespmem:s24+$0x750]  }
0x88: {  	v16 =	vld [tilespmem:s24+$0x760]  }
0x89: {  	v14 =	vld [tilespmem:s24+$0x770]  }
0x8a: {  	v58 =	vld [tilespmem:s24+$0x780]  }
0x8b: {  	v59 =	vld [tilespmem:s24+$0x790]  }
0x8c: {  	v60 =	vld [tilespmem:s24+$0x7A0];
	v8 =	vmul.f32 v8, v0;
	v9 =	vmul.f32 v9, v1  }
0x8d: {  	v61 =	vld [tilespmem:s24+$0x7B0];
	v62 =	vmul.f32 v10, v2;
	v10 =	vmul.f32 v13, v0  }
0x8e: {  	v18 =	vld [tilespmem:s24+$0x7C0];
	v63 =	vmul.f32 v15, v1;
	v22 =	vmul.f32 v22, v7  }
0x8f: {  	v17 =	vld [tilespmem:s24+$0x7E0];
	v27 =	vmul.f32 v27, v6;
	v28 =	vmul.f32 v28, v7  }
0x90: {  	v15 =	vld [tilespmem:s24+$0x7D0];
	v43 =	vmul.f32 v43, v6;
	v36 =	vmul.f32 v36, v7;
	v8 =	vadd.f32 v9, v8  }
0x91: {  	v49 =	vmul.f32 v49, v4;
	v10 =	vadd.f32 v63, v10;
	v63 =	vmul.f32 v23, v2;
	v23 =	vld [tilespmem:s24+$0x800]  }
0x92: {  	v13 =	vld [tilespmem:s24+$0x7F0];
	v56 =	vmul.f32 v56, v4;
	v8 =	vadd.f32 v62, v8;
	v62 =	vmul.f32 v11, v3  }
0x93: {  	v9 =	vmul.f32 v29, v0;
	v29 =	vld [tilespmem:s24+$0x840];
	v10 =	vadd.f32 v63, v10;
	v63 =	vmul.f32 v24, v3  }
0x94: {  	v24 =	vld [tilespmem:s24+$0x810];
	v8 =	vadd.f32 v62, v8;
	v62 =	vmul.f32 v19, v4;
	v19 =	vmul.f32 v21, v6  }
0x95: {  	v10 =	vadd.f32 v63, v10;
	v63 =	vmul.f32 v25, v4;
	v21 =	vmul.f32 v26, v5;
	v25 =	vld [tilespmem:s24+$0x830]  }
0x96: {  	v26 =	vmul.f32 v30, v1;
	v30 =	vld [tilespmem:s24+$0x870];
	v23 =	vmul.f32 v23, v0  }
0x97: {  	v8 =	vadd.f32 v62, v8;
	v62 =	vmul.f32 v20, v5;
	v20 =	vld [tilespmem:s24+$0x820];
	v10 =	vadd.f32 v63, v10  }
0x98: {  	v63 =	vmul.f32 v38, v1;
	v9 =	vadd.f32 v26, v9;
	v38 =	vmul.f32 v31, v2;
	v26 =	vld [tilespmem:s24+$0x860]  }
0x99: {  	v31 =	vld [tilespmem:s24+$0x880];
	v24 =	vmul.f32 v24, v1;
	v8 =	vadd.f32 v62, v8;
	v62 =	vmul.f32 v37, v0  }
0x9a: {  	v37 =	vld [tilespmem:s24+$0x850];
	v9 =	vadd.f32 v38, v9;
	v38 =	vmul.f32 v40, v3;
	v40 =	vmul.f32 v41, v4  }
0x9b: {  	v41 =	vmul.f32 v34, v5;
	v34 =	vmul.f32 v35, v6;
	v35 =	vld [tilespmem:s24+$0x8D0]  }
0x9c: {  	v57 =	vmul.f32 v57, v5;
	v10 =	vadd.f32 v21, v10;
	v23 =	vadd.f32 v24, v23;
	v24 =	vld [tilespmem:s24+$0x9B0]  }
0x9d: {  	v11 =	vadd.f32 v63, v62;
	v62 =	vmul.f32 v39, v2;
	v63 =	vmul.f32 v32, v3;
	v32 =	vld [tilespmem:s24+$0x890]  }
0x9e: {  	v12 =	vmul.f32 v12, v7;
	v8 =	vadd.f32 v19, v8;
	v10 =	vadd.f32 v27, v10;
	v27 =	vld [tilespmem:s24+$0x8B0]  }
0x9f: {  	v39 =	vmul.f32 v33, v4;
	v33 =	vld [tilespmem:s24+$0x8C0];
	v20 =	vmul.f32 v20, v2;
	v11 =	vadd.f32 v62, v11  }
0xa0: {  	v19 =	vld [tilespmem:s24+$0x8F0];
	v9 =	vadd.f32 v63, v9;
	v62 =	vmul.f32 v45, v0;
	v63 =	vmul.f32 v46, v1  }
0xa1: {  	v8 =	vadd.f32 v22, v8;
	v22 =	vld [tilespmem:s24+$0x8A0];
	v46 =	vmul.f32 v47, v2;
	v47 =	vmul.f32 v52, v0  }
0xa2: {  	v52 =	vmul.f32 v53, v1;
	v20 =	vadd.f32 v20, v23;
	v23 =	vld [tilespmem:s24+$0xA30];
	v9 =	vadd.f32 v39, v9  }
0xa3: {  	v45 =	vadd.f32 v63, v62;
	v63 =	vmul.f32 v54, v2;
	v54 =	vmul.f32 v50, v5;
	v50 =	vld [tilespmem:s24+$0x980]  }
0xa4: {  	v16 =	vmul.f32 v16, v6;
	v11 =	vadd.f32 v38, v11;
	v39 =	vadd.f32 v52, v47;
	v47 =	vld [tilespmem:s24+$0x9C0]  }
0xa5: {  	v18 =	vmul.f32 v18, v4;
	v14 =	vmul.f32 v14, v7;
	v38 =	vadd.f32 v41, v9;
	v41 =	vld [tilespmem:s24+$0x8E0]  }
0xa6: {  	v17 =	vmul.f32 v17, v6;
	v15 =	vmul.f32 v15, v5;
	v11 =	vadd.f32 v40, v11;
	v40 =	vld [tilespmem:s24+$0x910]  }
0xa7: {  	v13 =	vmul.f32 v13, v7;
	v9 =	vadd.f32 v28, v10;
	v28 =	vadd.f32 v46, v45;
	v45 =	vld [tilespmem:s24+$0x930]  }
0xa8: {  	v21 =	vmul.f32 v42, v5;
	v30 =	vmul.f32 v30, v7;
	v46 =	vld [tilespmem:s24+$0x960]  }
0xa9: {  	v53 =	vmul.f32 v48, v3;
	v62 =	vmul.f32 v44, v7;
	v52 =	vadd.f32 v63, v39;
	v39 =	vld [tilespmem:s24+$0x990]  }
0xaa: {  	v63 =	vmul.f32 v59, v1;
	v59 =	vmul.f32 v32, v1;
	v32 =	vld [tilespmem:s24+$0xA20]  }
0xab: {  	v24 =	vmul.f32 v24, v3;
	v42 =	vadd.f32 v21, v11;
	v21 =	vadd.f32 v34, v38;
	v38 =	vld [tilespmem:s24+$0x900]  }
0xac: {  	v19 =	vmul.f32 v19, v7;
	v48 =	vadd.f32 v53, v28;
	v34 =	vld [tilespmem:s24+$0x940];
	v53 =	vmul.f32 v55, v3  }
0xad: {  	v55 =	vmul.f32 v51, v6;
	v51 =	vmul.f32 v33, v4;
	v10 =	vadd.f32 v43, v42;
	v42 =	vld [tilespmem:s24+$0x920]  }
0xae: {  	v23 =	vmul.f32 v23, v3;
	v11 =	vadd.f32 v36, v21;
	v43 =	vld [tilespmem:s24+$0x950];
	v21 =	vadd.f32 v49, v48  }
0xaf: {  	v36 =	vadd.f32 v53, v52;
	v48 =	vld [tilespmem:s24+$0x970];
	v52 =	vmul.f32 v60, v2;
	v53 =	vmul.f32 v61, v3  }
0xb0: {  	v49 =	vld [tilespmem:s24+$0x9A0];
	v61 =	vmul.f32 v26, v6;
	v39 =	vmul.f32 v39, v1  }
0xb1: {  	v21 =	vadd.f32 v54, v21;
	v36 =	vadd.f32 v56, v36;
	v54 =	vmul.f32 v25, v3;
	v25 =	vld [tilespmem:s24+$0x9D0]  }
0xb2: {  	v10 =	vadd.f32 v62, v10;
	v62 =	vmul.f32 v58, v0;
	v56 =	vmul.f32 v29, v4;
	v29 =	vld [tilespmem:s24+$0x9F0]  }
0xb3: {  	v58 =	vmul.f32 v31, v0;
	v31 =	vld [tilespmem:s24+$0xA50];
	v36 =	vadd.f32 v57, v36;
	v57 =	vmul.f32 v37, v5  }
0xb4: {  	v28 =	vadd.f32 v63, v62;
	v63 =	vmul.f32 v22, v2;
	v22 =	vld [tilespmem:s24+$0xA40];
	v37 =	vmul.f32 v38, v0  }
0xb5: {  	v21 =	vadd.f32 v55, v21;
	v38 =	vmul.f32 v40, v1;
	v40 =	vmul.f32 v27, v3;
	v27 =	vld [tilespmem:s24+$0xA60]  }
0xb6: {  	v20 =	vadd.f32 v54, v20;
	v62 =	vadd.f32 v59, v58;
	v54 =	vmul.f32 v35, v5;
	v59 =	vld [tilespmem:s24+$0xAB0]  }
0xb7: {  	v58 =	vmul.f32 v43, v5;
	v43 =	vld [tilespmem:s24+$0xB10];
	v28 =	vadd.f32 v52, v28;
	v16 =	vadd.f32 v16, v36  }
0xb8: {  	v42 =	vmul.f32 v42, v2;
	v12 =	vadd.f32 v12, v21;
	v21 =	vld [tilespmem:s24+$0xA00];
	v20 =	vadd.f32 v56, v20  }
0xb9: {  	v36 =	vld [tilespmem:s24+$0xA10];
	v52 =	vmul.f32 v45, v3;
	v55 =	vadd.f32 v53, v28;
	v14 =	vadd.f32 v14, v16  }
0xba: {  	v56 =	vld [tilespmem:s24+$0xAA0];
	v29 =	vmul.f32 v29, v7;
	v60 =	vadd.f32 v57, v20;
	v20 =	vadd.f32 v38, v37  }
0xbb: {  	v28 =	vld [tilespmem:s24+$0x9E0];
	v57 =	vmul.f32 v34, v4;
	v22 =	vmul.f32 v22, v4;
	v18 =	vadd.f32 v18, v55  }
0xbc: {  	v53 =	vld [tilespmem:s24+$0xA90];
	v16 =	vadd.f32 v61, v60;
	v55 =	vmul.f32 v41, v6;
	v60 =	vmul.f32 v50, v0  }
0xbd: {  	v45 =	vld [tilespmem:s24+$0xB20];
	v20 =	vadd.f32 v42, v20;
	v42 =	vmul.f32 v46, v6;
	v50 =	vmul.f32 v31, v5  }
0xbe: {  	v37 =	vld [tilespmem:s24+$0xA70];
	v21 =	vmul.f32 v21, v0;
	v61 =	vmul.f32 v36, v1  }
0xbf: {  	v46 =	vld [tilespmem:s24+$0xB30];
	v26 =	vmul.f32 v43, v1;
	v15 =	vadd.f32 v15, v18;
	v16 =	vadd.f32 v30, v16  }
0xc0: {  	v18 =	vld [tilespmem:s24+$0xA80];
	v20 =	vadd.f32 v52, v20;
	v21 =	vadd.f32 v61, v21;
	v28 =	vmul.f32 v28, v6  }
0xc1: {  	v36 =	vld [tilespmem:s24+$0xAD0];
	v52 =	vmul.f32 v53, v1;
	v15 =	vadd.f32 v17, v15;
	v17 =	vadd.f32 v63, v62  }
0xc2: {  	v30 =	vld [tilespmem:s24+$0xB60];
	v53 =	vmul.f32 v27, v6;
	v20 =	vadd.f32 v57, v20;
	v62 =	vmul.f32 v49, v2  }
0xc3: {  	v27 =	vld [tilespmem:s24+$0xB70];
	v63 =	vmul.f32 v32, v2;
	v13 =	vadd.f32 v13, v15;
	v44 =	vadd.f32 v40, v17  }
0xc4: {  	v49 =	vld [tilespmem:s24+$0xB40];
	v17 =	vadd.f32 v39, v60;
	v20 =	vadd.f32 v58, v20;
	v58 =	vmul.f32 v59, v3  }
0xc5: {  	v61 =	vld [tilespmem:s24+$0xC00];
	v21 =	vadd.f32 v63, v21;
	v60 =	vmul.f32 v37, v7;
	v18 =	vmul.f32 v18, v0  }
0xc6: {  	v32 =	vld [tilespmem:s24+$0xAF0];
	v15 =	vadd.f32 v51, v44;
	v17 =	vadd.f32 v62, v17;
	v44 =	vmul.f32 v47, v4  }
0xc7: {  	v41 =	vld [tilespmem:s24+$0xB00];
	v20 =	vadd.f32 v42, v20;
	v47 =	vmul.f32 v48, v7;
	v48 =	vmul.f32 v25, v5  }
0xc8: {  	v40 =	vld [tilespmem:s24+$0xAC0];
	v21 =	vadd.f32 v23, v21;
	v23 =	vmul.f32 v46, v3;
	v42 =	vmul.f32 v36, v5  }
0xc9: {  	v57 =	vld [tilespmem:s24+$0xB90];
	v34 =	vmul.f32 v27, v7;
	v18 =	vadd.f32 v52, v18;
	v43 =	vmul.f32 v49, v4  }
0xca: {  	v59 =	vld [tilespmem:s24+$0xBA0];
	v49 =	vmul.f32 v61, v0;
	v61 =	vmul.f32 v30, v6;
	v15 =	vadd.f32 v54, v15  }
0xcb: {  	v63 =	vld [tilespmem:s24+$0xC10];
	v32 =	vmul.f32 v32, v7;
	v17 =	vadd.f32 v24, v17;
	v21 =	vadd.f32 v22, v21  }
0xcc: {  	v54 =	vmul.f32 v56, v2;
	v56 =	vmul.f32 v41, v0;
	v15 =	vadd.f32 v55, v15;
	v55 =	vld [tilespmem:s24+$0xB80]  }
0xcd: {  	v51 =	vld [tilespmem:s24+$0xB50];
	v20 =	vadd.f32 v47, v20;
	v24 =	vmul.f32 v45, v2;
	v62 =	vmul.f32 v40, v4  }
0xce: {  	v46 =	vld [tilespmem:s24+$0xC30];
	v40 =	vmul.f32 v57, v1;
	v17 =	vadd.f32 v44, v17;
	v21 =	vadd.f32 v50, v21  }
0xcf: {  	v37 =	vld [tilespmem:s24+$0xBB0];
	v45 =	vmul.f32 v59, v2;
	v18 =	vadd.f32 v54, v18;
	v22 =	vadd.f32 v26, v56  }
0xd0: {  	v41 =	vld [tilespmem:s24+$0xC20];
	v50 =	vmul.f32 v63, v1;
	v15 =	vadd.f32 v19, v15;
	v17 =	vadd.f32 v48, v17  }
0xd1: {  	v39 =	vld [tilespmem:s24+$0xAE0];
	v21 =	vadd.f32 v53, v21;
	v18 =	vadd.f32 v58, v18;
	v38 =	vmul.f32 v55, v0  }
0xd2: {  	(xrf2) =	vadd.scan.msk.f32 $0xffff, v8;
	v44 =	vld [tilespmem:s24+$0xBC0];
	v8 =	vmul.f32 v51, v5;
	v22 =	vadd.f32 v24, v22;
	v17 =	vadd.f32 v28, v17  }
0xd3: {  	(xrf2) =	vadd.scan.msk.f32 $0xffff, v9;
	v54 =	vld [tilespmem:s24+$0xC40];
	v63 =	vmul.f32 v46, v3;
	v21 =	vadd.f32 v60, v21;
	v19 =	vadd.f32 v40, v38  }
0xd4: {  	(xrf2) =	vadd.scan.msk.f32 $0xffff, v11;
	v48 =	vld [tilespmem:s24+$0xBD0];
	v53 =	vmul.f32 v37, v3;
	v18 =	vadd.f32 v62, v18;
	v22 =	vadd.f32 v23, v22  }
0xd5: {  	(xrf2) =	vadd.scan.msk.f32 $0xffff, v10;
	v56 =	vld [tilespmem:s24+$0xBE0];
	v57 =	vmul.f32 v41, v2;
	v55 =	vadd.f32 v50, v49;
	v52 =	vadd.f32 v45, v19  }
0xd6: {  	(xrf2) =	vadd.scan.msk.f32 $0xffff, v12;
	v58 =	vmul.f32 v39, v6;
	v60 =	vld [tilespmem:s24+$0xC50];
	v47 =	vadd.f32 v43, v22;
	v51 =	vadd.f32 v42, v18  }
0xd7: {  	(xrf2) =	vadd.scan.msk.f32 $0xffff, v14;
	v30 =	vld [tilespmem:s24+$0xC60];
	v59 =	vmul.f32 v44, v4;
	v9 =	vadd.f32 v57, v55;
	v18 =	vadd.f32 v53, v52  }
0xd8: {  	(xrf2) =	vadd.scan.msk.f32 $0xffff, v13;
	v62 =	vld [tilespmem:s24+$0xBF0];
	v31 =	vmul.f32 v54, v4;
	v17 =	vadd.f32 v29, v17;
	v8 =	vadd.f32 v8, v47  }
0xd9: {  	v33 =	vld [tilespmem:s24+$0xC70];
	(xrf2) =	vadd.scan.msk.f32 $0xffff, v16;
	v29 =	vmul.f32 v48, v5;
	v9 =	vadd.f32 v63, v9;
	v28 =	vadd.f32 v59, v18  }
0xda: {  	(xrf2) =	vadd.scan.msk.f32 $0xffff, v15;
	v10 =	vmul.f32 v56, v6;
	v11 =	vadd.f32 v58, v51;
	v8 =	vadd.f32 v61, v8  }
0xdb: {  	(xrf2) =	vadd.scan.msk.f32 $0xffff, v20;
	v35 =	vmul.f32 v60, v5;
	v9 =	vadd.f32 v31, v9;
	v12 =	vadd.f32 v29, v28  }
0xdc: {  	v36, _, _ =	vpop (xrf2);
	v39 =	vmul.f32 v30, v6;
	(xrf2) =	vadd.scan.msk.f32 $0xffff, v17;
	v11 =	vadd.f32 v32, v11;
	v8 =	vadd.f32 v34, v8  }
0xdd: {  	v37 =	vmul.f32 v62, v7;
	v38, _, _ =	vpop (xrf2);
	(xrf2) =	vadd.scan.msk.f32 $0xffff, v21;
	v9 =	vadd.f32 v35, v9;
	v10 =	vadd.f32 v10, v12  }
0xde: {  	v13 =	vmul.f32 v33, v7;
	v41 =	vbroadcast v36, $0xF;
	v40, _, _ =	vpop (xrf2);
	(xrf2) =	vadd.scan.msk.f32 $0xffff, v11  }
0xdf: {  	v15 =	vbroadcast v38, $0xF;
	v42, _, _ =	vpop (xrf2);
	(xrf2) =	vadd.scan.msk.f32 $0xffff, v8;
	v8 =	vadd.f32 v39, v9;
	v10 =	vadd.f32 v37, v10  }
0xe0: {  	v43 =	vbroadcast v40, $0xF  }
0xe1: {  	v11 =	vsel vm0, v41, v15;
	v44, _, _ =	vpop (xrf2);
	v12 =	vbroadcast v42, $0xF;
	v8 =	vadd.f32 v13, v8;
	(xrf2) =	vadd.scan.msk.f32 $0xffff, v10  }
0xe2: {  	v45, _, _ =	vpop (xrf2);
	v46 =	vbroadcast v44, $0xF;
	v9 =	vsel vm1, v11, v43  }
0xe3: {  	v47, _, _ =	vpop (xrf2);
	v9 =	vsel vm2, v9, v12;
	v10 =	vbroadcast v45, $0xF  }
0xe4: {  	v48 =	vbroadcast v47, $0xF;
	v49, _, _ =	vpop (xrf2);
	v9 =	vsel vm3, v9, v46;
	(xrf2) =	vadd.scan.msk.f32 $0xffff, v8  }
0xe5: {  	v50 =	vbroadcast v49, $0xF;
	v8, _, _ =	vpop (xrf2);
	v9 =	vsel vm4, v9, v10  }
0xe6: {  	v51, _, _ =	vpop (xrf2);
	v8 =	vbroadcast v8, $0xF;
	v9 =	vsel vm5, v9, v48  }
0xe7: {  	v52, _, _ =	vpop (xrf2);
	v53 =	vbroadcast v51, $0xF;
	v9 =	vsel vm6, v9, v50  }
0xe8: {  	v54, _, _ =	vpop (xrf2);
	v55 =	vbroadcast v52, $0xF;
	v8 =	vsel vm7, v9, v8  }
0xe9: {  	v56, _, _ =	vpop (xrf2);
	v57 =	vbroadcast v54, $0xF;
	v8 =	vsel vm8, v8, v53  }
0xea: {  	v58, _, _ =	vpop (xrf2);
	v59 =	vbroadcast v56, $0xF;
	v8 =	vsel vm9, v8, v55  }
0xeb: {  	p1 =	por p0, p0;
	v61 =	vbroadcast v58, $0xF;
	v8 =	vsel vm10, v8, v57;
	v60, _, _ =	vpop (xrf2)  }
.Ltmp1:
0xec: {  	v8 =	vsel vm11, v8, v59;
	v62 =	vbroadcast v60, $0xF;
	(pc) =	sbr.rel @p1 .LBB2_5-.Ltmp1, $4  }
0xed: {  	v8 =	vsel vm12, v8, v61  }
0xee: {  	v63, _, _ =	vpop (xrf2);
	v8 =	vsel vm13, v8, v62  }
0xef: {  	v8 =	vsel vm14, v8, v63  }
0xf0: {  	p0 =	por $0x0, $0x0;
	[tilespmem:s23+$0x10480] =	vst v8;
	s23 =	simm.s32 $0x10  }
0xf1: {  	s21 =	sadd.s32 $0x1, s21  }
0xf2: {  	p0 =	sne.s32 s21, $0x10  }
.Ltmp2:
0xf3: {  	_ = 	snop;
	(pc) =	sbr.rel @p0 .LBB2_4-.Ltmp2, $1  }
0xf4: {  	_ =	sdelay $0x3  }
0xf5: {  	s20 =	sadd.s32 $0x1, s20  }
0xf6: {  	p0 =	sne.s32 s20, s10  }
.Ltmp3:
0xf7: {  	_ = 	snop;
	(pc) =	sbr.rel @p0 .LBB2_1-.Ltmp3, $4  }
0xf8: {  	[hbm4b:s9+s4] =	stream.linear.scatter [tilespmem:s18], [sflag:$0x13], $0x200, $0x38;
	[tilespmem:$0x10680] =	vst v63  }
0xf9: {  	_ =	swait.ge [sflag:s19], $0x200  }
0xfa: {  	[sflag:s19] =	ssyncset.done $0x0  }
0xfb: {  	[sflag:s19] =	ssyncadd.s32 $0xFFFFFE00  }
0xfc: {  	_ =	sfence.sel $0x180000  }
0xfd: {  	[bflag:$0x0] =	sbarrier.arrive $0xFFFF  }
0xfe: {  	p0 =	sne.s32 s3, $0x0;
	_ =	strace $0x90000047  }
0xff: {  	s0 =	sadd.s32 @!p0 $0x100000, s0;
	[bflag:$0x2] =	sbarrier.arrive $0xFFFF  }
0x100: {  	[sflag:s0] =	ssyncadd.tile.s32 @!p0 $0x1;
	_ =	shalt  }
.Lfunc_end2:
_tile_overlayer_lowered:
.L_overlay_start_2:
0x101: {  	(tag) =	ssettag $0x2  }
0x102: {  	s0 =	rddreg [dreg:$0x0];
	s2 =	stileid.u32  }
0x103: {  	s1 =	rddreg [dreg:$0x1];
	p0 =	sne.s32 s2, $0x0  }
0x104: {  	s3 =	rddreg [dreg:$0x2];
	[bflag:$0x3] =	sbarrier.arrive $0xFFFF;
	s2 =	simm.s32 @!p0 $0x1C13  }
0x105: {  	[timem:s3], [sflag:s2] =	dma.local @!p0 [hbm:s0], s1  }
0x106: {  	s0 =	simm.s32 @!p0 $0x13  }
0x107: {  	_ =	swait.ge @!p0 [sflag:s0], s1  }
0x108: {  	s1 =	ssub.s32 @!p0 $0x0, s1;
	[sflag:s0] =	ssyncset.done @!p0 $0x0  }
0x109: {  	[sflag:s0] =	ssyncadd.s32 @!p0 s1  }
0x10a: {  	[bflag:$0x3] =	sbarrier.arrive $0xFFFF  }
0x10b: {  	_ =	shalt  }

</sc_bundles>
